<compile_context>
chip_gen: v7x
topology: tpu7x:2x2x1
jax: 0.10.2.dev20260603
libtpu: 0.0.44.dev20260713+nightly
codegen_flags: <defaults>
</compile_context>

<pallas_src>
import functools

import jax
import jax.numpy as jnp
from jax import lax
from jax.experimental import pallas as pl
from jax.experimental.pallas import tpu as pltpu
from jax.experimental.pallas import tpu_sc as plsc

D = 32

NC = 2
NS = 16
NW = NC * NS

CHUNK = 128
GROUP = 5
GROUP_ROWS = CHUNK * GROUP
NBUF = 3


@functools.partial(jax.jit, static_argnums=0)
def _gather(B, xf, table):
    b_per_w = B // NW
    n_rows = b_per_w // CHUNK
    n_groups = n_rows // GROUP
    assert n_groups >= 2 * NBUF and (n_groups - 4) % NBUF == 0

    mesh = plsc.VectorSubcoreMesh(
        core_axis_name="c", subcore_axis_name="s",
        num_cores=NC, num_subcores=NS)

    @functools.partial(
        pl.kernel,
        out_type=jax.ShapeDtypeStruct((B, D), jnp.float32),
        mesh=mesh,
        compiler_params=pltpu.CompilerParams(use_tc_tiling_on_sc=False),
        scratch_types=[
            pltpu.VMEM((n_rows, CHUNK), jnp.int32),
            pltpu.VMEM((NBUF, GROUP_ROWS, D), jnp.float32),
            [pltpu.SemaphoreType.DMA] * NBUF,
            [pltpu.SemaphoreType.DMA] * NBUF,
        ],
    )
    def k(x_hbm, table_hbm, out_hbm, idx_v, rows_v, gsems, wsems):
        wid = lax.axis_index("s") * NC + lax.axis_index("c")
        base = wid * b_per_w
        pltpu.sync_copy(x_hbm.at[wid], idx_v)

        def fire(g, buf):
            for b in range(GROUP):
                pltpu.async_copy(
                    table_hbm.at[idx_v.at[g * GROUP + b]],
                    rows_v.at[buf, pl.ds(b * CHUNK, CHUNK)],
                    gsems[buf])

        def drain(buf):
            pltpu.make_async_copy(
                table_hbm.at[pl.ds(0, GROUP_ROWS)],
                rows_v.at[buf],
                gsems[buf]).wait()

        def write(g, buf):
            pltpu.async_copy(
                rows_v.at[buf],
                out_hbm.at[pl.ds(base + g * GROUP_ROWS, GROUP_ROWS)],
                wsems[buf])

        def wait_write(buf):
            pltpu.make_async_copy(
                rows_v.at[buf],
                out_hbm.at[pl.ds(base, GROUP_ROWS)],
                wsems[buf]).wait()

        fire(0, 0)
        fire(1, 1)
        drain(0)
        fire(2, 2)
        write(0, 0)
        drain(1)
        wait_write(0)
        fire(3, 0)
        write(1, 1)

        @pl.loop(2, n_groups - 2, step=NBUF)
        def _(g0):
            for j in range(NBUF):
                g = g0 + j
                buf = (2 + j) % NBUF
                drain(buf)
                wait_write((buf + NBUF - 1) % NBUF)
                fire(g + 2, (buf + NBUF - 1) % NBUF)
                write(g, buf)

        gl = n_groups - 2
        drain(gl % NBUF)
        wait_write((gl - 1) % NBUF)
        write(gl, gl % NBUF)
        gl = n_groups - 1
        drain(gl % NBUF)
        wait_write((gl - 1) % NBUF)
        write(gl, gl % NBUF)
        wait_write(gl % NBUF)

    return k(xf, table)


def kernel(x, table):
    B = x.size
    xf = x.reshape(-1).astype(jnp.int32).reshape(NW, B // (NW * CHUNK), CHUNK)
    out = _gather(B, xf, table)
    return out.reshape(*x.shape, D)

# --- scband reference (transcript-rebuilt; emitter-appended) ---
"""Pipeline reference for scband-embedding-30554397344350 (READ-ONLY COPY).

The authoritative reference and input builder live on the scoring server;
editing this copy changes nothing except your own understanding.
"""

import jax, jax.numpy as jnp
import numpy as np

V = 1000000
D = 32
PAD = 0

def setup_inputs(seed: int = 0) -> dict:
    key = jax.random.key(seed)
    k1, k2 = jax.random.split(key)
    x = jax.random.randint(k1, (16384, 50), 0, V, dtype=jnp.int64)
    table = jax.random.normal(k2, (V, D), dtype=jnp.float32)
    # nn.Embedding with padding_idx initializes the pad row to zeros
    table = table.at[PAD].set(0.0)
    return {"x": x, "table": table}

def reference(x, table):
    # Embedding lookup: gather rows of the table
    return jnp.take(table, x, axis=0)

if __name__ == "__main__":
    import jax
    _d = setup_inputs()
    print(jax.jit(kernel)(*tuple(_d.values())))

</pallas_src>

<mosaic_0001>
#map = affine_map<(d0, d1) -> (0, 0, 0)>
#map1 = affine_map<(d0, d1) -> (0, 0)>
module attributes {stable_mosaic.version = 14 : i64} {
  func.func @k(%arg0: i32, %arg1: i32, %arg2: memref<32x200x128xi32, #tpu.memory_space<hbm>>, %arg3: memref<1000000x32xf32, #tpu.memory_space<hbm>>, %arg4: memref<819200x32xf32, #tpu.memory_space<hbm>>, %arg5: memref<200x128xi32, #tpu.memory_space<vmem>>, %arg6: memref<3x640x32xf32, #tpu.memory_space<vmem>>, %arg7: memref<!tpu.dma_semaphore, #tpu.memory_space<semaphore_mem>>, %arg8: memref<!tpu.dma_semaphore, #tpu.memory_space<semaphore_mem>>, %arg9: memref<!tpu.dma_semaphore, #tpu.memory_space<semaphore_mem>>, %arg10: memref<!tpu.dma_semaphore, #tpu.memory_space<semaphore_mem>>, %arg11: memref<!tpu.dma_semaphore, #tpu.memory_space<semaphore_mem>>, %arg12: memref<!tpu.dma_semaphore, #tpu.memory_space<semaphore_mem>>) attributes {dimension_semantics = [#tpu.dimension_semantics<core_parallel>, #tpu.dimension_semantics<subcore_parallel>], iteration_bounds = array<i64: 2, 16>, scalar_prefetch = 0 : i64, scratch_operands = 8 : i64, tpu.core_type = #tpu.core_type<sc_vector_subcore>, window_params = [{transform_indices = #map}, {transform_indices = #map1}, {transform_indices = #map1}]} {
    %mul3A = arith.constant 2 : i32
    %mul3A_0 = arith.muli %arg1, %mul3A : i32
    %add3A = arith.addi %mul3A_0, %arg0 : i32
    %mul3A_1 = arith.constant 25600 : i32
    %mul3A_2 = arith.muli %add3A, %mul3A_1 : i32
    "tpu.region"() ({
      %run_scoped3A = tpu.sem_alloc : memref<!tpu.dma_semaphore, #tpu.memory_space<semaphore_mem>>
      %dma_start3A_417 = arith.constant 0 : i32
      %dma_start3A_418 = arith.constant 0 : i32
      %dma_start3A_419 = tpu.memref_slice %arg2[%add3A, %dma_start3A_417, %dma_start3A_418] : memref<32x200x128xi32, #tpu.memory_space<hbm>> -> memref<1x200x128xi32, #tpu.memory_space<hbm>>
      %dma_start3A_420 = tpu.memref_squeeze %dma_start3A_419 : memref<1x200x128xi32, #tpu.memory_space<hbm>> -> memref<200x128xi32, #tpu.memory_space<hbm>>
      %dma_start3A_421 = arith.constant 0 : i32
      %dma_start3A_422 = arith.constant 0 : i32
      %dma_start3A_423 = tpu.memref_slice %arg2[%add3A, %dma_start3A_421, %dma_start3A_422] : memref<32x200x128xi32, #tpu.memory_space<hbm>> -> memref<1x200x128xi32, #tpu.memory_space<hbm>>
      %dma_start3A_424 = tpu.memref_squeeze %dma_start3A_423 : memref<1x200x128xi32, #tpu.memory_space<hbm>> -> memref<200x128xi32, #tpu.memory_space<hbm>>
      tpu.enqueue_dma source(%dma_start3A_424 : memref<200x128xi32, #tpu.memory_space<hbm>>) target(%arg5 : memref<200x128xi32, #tpu.memory_space<vmem>>) target_semaphore(%run_scoped3A : memref<!tpu.dma_semaphore, #tpu.memory_space<semaphore_mem>>)
      %dma_wait3A_425 = arith.constant 0 : i32
      %dma_wait3A_426 = arith.constant 0 : i32
      %dma_wait3A_427 = tpu.memref_slice %arg2[%add3A, %dma_wait3A_425, %dma_wait3A_426] : memref<32x200x128xi32, #tpu.memory_space<hbm>> -> memref<1x200x128xi32, #tpu.memory_space<hbm>>
      %dma_wait3A_428 = tpu.memref_squeeze %dma_wait3A_427 : memref<1x200x128xi32, #tpu.memory_space<hbm>> -> memref<200x128xi32, #tpu.memory_space<hbm>>
      %dma_wait3A_429 = arith.constant 0 : i32
      %dma_wait3A_430 = arith.constant 0 : i32
      %dma_wait3A_431 = tpu.memref_slice %arg2[%add3A, %dma_wait3A_429, %dma_wait3A_430] : memref<32x200x128xi32, #tpu.memory_space<hbm>> -> memref<1x200x128xi32, #tpu.memory_space<hbm>>
      %dma_wait3A_432 = tpu.memref_squeeze %dma_wait3A_431 : memref<1x200x128xi32, #tpu.memory_space<hbm>> -> memref<200x128xi32, #tpu.memory_space<hbm>>
      tpu.wait_dma2 semaphore(%run_scoped3A : memref<!tpu.dma_semaphore, #tpu.memory_space<semaphore_mem>>) src(%dma_wait3A_432 : memref<200x128xi32, #tpu.memory_space<hbm>>) dst(%arg5 : memref<200x128xi32, #tpu.memory_space<vmem>>)
      tpu.yield
    }) : () -> ()
    %dma_start3A = arith.constant 0 : i32
    %dma_start3A_3 = arith.constant 0 : i32
    %dma_start3A_4 = arith.constant 0 : i32
    %dma_start3A_5 = arith.constant 0 : i32
    %dma_start3A_6 = tpu.memref_slice %arg6[%dma_start3A_3, %dma_start3A_4, %dma_start3A_5] : memref<3x640x32xf32, #tpu.memory_space<vmem>> -> memref<1x128x32xf32, #tpu.memory_space<vmem>>
    %dma_start3A_7 = tpu.memref_squeeze %dma_start3A_6 : memref<1x128x32xf32, #tpu.memory_space<vmem>> -> memref<128x32xf32, #tpu.memory_space<vmem>>
    %dma_start3A_8 = arith.constant 0 : i32
    %dma_start3A_9 = tpu.memref_slice %arg5[%dma_start3A, %dma_start3A_8] : memref<200x128xi32, #tpu.memory_space<vmem>> -> memref<1x128xi32, #tpu.memory_space<vmem>>
    %dma_start3A_10 = tpu.memref_squeeze %dma_start3A_9 : memref<1x128xi32, #tpu.memory_space<vmem>> -> memref<128xi32, #tpu.memory_space<vmem>>
    %dma_start3A_11 = arith.constant 0 : i32
    %dma_start3A_12 = arith.constant 0 : i32
    %dma_start3A_13 = tpu.memref_slice %arg3[%dma_start3A_11, %dma_start3A_12] : memref<1000000x32xf32, #tpu.memory_space<hbm>> -> memref<1000000x32xf32, #tpu.memory_space<hbm>>
    tpu.enqueue_indirect_dma source(%dma_start3A_13 : memref<1000000x32xf32, #tpu.memory_space<hbm>>) target(%dma_start3A_7 : memref<128x32xf32, #tpu.memory_space<vmem>>) offsets(%dma_start3A_10 : memref<128xi32, #tpu.memory_space<vmem>>) semaphore(%arg7 : memref<!tpu.dma_semaphore, #tpu.memory_space<semaphore_mem>>)
    %dma_start3A_14 = arith.constant 1 : i32
    %dma_start3A_15 = arith.constant 0 : i32
    %dma_start3A_16 = arith.constant 128 : i32
    %dma_start3A_17 = arith.constant 0 : i32
    %dma_start3A_18 = tpu.memref_slice %arg6[%dma_start3A_15, %dma_start3A_16, %dma_start3A_17] : memref<3x640x32xf32, #tpu.memory_space<vmem>> -> memref<1x128x32xf32, #tpu.memory_space<vmem>>
    %dma_start3A_19 = tpu.memref_squeeze %dma_start3A_18 : memref<1x128x32xf32, #tpu.memory_space<vmem>> -> memref<128x32xf32, #tpu.memory_space<vmem>>
    %dma_start3A_20 = arith.constant 0 : i32
    %dma_start3A_21 = tpu.memref_slice %arg5[%dma_start3A_14, %dma_start3A_20] : memref<200x128xi32, #tpu.memory_space<vmem>> -> memref<1x128xi32, #tpu.memory_space<vmem>>
    %dma_start3A_22 = tpu.memref_squeeze %dma_start3A_21 : memref<1x128xi32, #tpu.memory_space<vmem>> -> memref<128xi32, #tpu.memory_space<vmem>>
    %dma_start3A_23 = arith.constant 0 : i32
    %dma_start3A_24 = arith.constant 0 : i32
    %dma_start3A_25 = tpu.memref_slice %arg3[%dma_start3A_23, %dma_start3A_24] : memref<1000000x32xf32, #tpu.memory_space<hbm>> -> memref<1000000x32xf32, #tpu.memory_space<hbm>>
    tpu.enqueue_indirect_dma source(%dma_start3A_25 : memref<1000000x32xf32, #tpu.memory_space<hbm>>) target(%dma_start3A_19 : memref<128x32xf32, #tpu.memory_space<vmem>>) offsets(%dma_start3A_22 : memref<128xi32, #tpu.memory_space<vmem>>) semaphore(%arg7 : memref<!tpu.dma_semaphore, #tpu.memory_space<semaphore_mem>>)
    %dma_start3A_26 = arith.constant 2 : i32
    %dma_start3A_27 = arith.constant 0 : i32
    %dma_start3A_28 = arith.constant 256 : i32
    %dma_start3A_29 = arith.constant 0 : i32
    %dma_start3A_30 = tpu.memref_slice %arg6[%dma_start3A_27, %dma_start3A_28, %dma_start3A_29] : memref<3x640x32xf32, #tpu.memory_space<vmem>> -> memref<1x128x32xf32, #tpu.memory_space<vmem>>
    %dma_start3A_31 = tpu.memref_squeeze %dma_start3A_30 : memref<1x128x32xf32, #tpu.memory_space<vmem>> -> memref<128x32xf32, #tpu.memory_space<vmem>>
    %dma_start3A_32 = arith.constant 0 : i32
    %dma_start3A_33 = tpu.memref_slice %arg5[%dma_start3A_26, %dma_start3A_32] : memref<200x128xi32, #tpu.memory_space<vmem>> -> memref<1x128xi32, #tpu.memory_space<vmem>>
    %dma_start3A_34 = tpu.memref_squeeze %dma_start3A_33 : memref<1x128xi32, #tpu.memory_space<vmem>> -> memref<128xi32, #tpu.memory_space<vmem>>
    %dma_start3A_35 = arith.constant 0 : i32
    %dma_start3A_36 = arith.constant 0 : i32
    %dma_start3A_37 = tpu.memref_slice %arg3[%dma_start3A_35, %dma_start3A_36] : memref<1000000x32xf32, #tpu.memory_space<hbm>> -> memref<1000000x32xf32, #tpu.memory_space<hbm>>
    tpu.enqueue_indirect_dma source(%dma_start3A_37 : memref<1000000x32xf32, #tpu.memory_space<hbm>>) target(%dma_start3A_31 : memref<128x32xf32, #tpu.memory_space<vmem>>) offsets(%dma_start3A_34 : memref<128xi32, #tpu.memory_space<vmem>>) semaphore(%arg7 : memref<!tpu.dma_semaphore, #tpu.memory_space<semaphore_mem>>)
    %dma_start3A_38 = arith.constant 3 : i32
    %dma_start3A_39 = arith.constant 0 : i32
    %dma_start3A_40 = arith.constant 384 : i32
    %dma_start3A_41 = arith.constant 0 : i32
    %dma_start3A_42 = tpu.memref_slice %arg6[%dma_start3A_39, %dma_start3A_40, %dma_start3A_41] : memref<3x640x32xf32, #tpu.memory_space<vmem>> -> memref<1x128x32xf32, #tpu.memory_space<vmem>>
    %dma_start3A_43 = tpu.memref_squeeze %dma_start3A_42 : memref<1x128x32xf32, #tpu.memory_space<vmem>> -> memref<128x32xf32, #tpu.memory_space<vmem>>
    %dma_start3A_44 = arith.constant 0 : i32
    %dma_start3A_45 = tpu.memref_slice %arg5[%dma_start3A_38, %dma_start3A_44] : memref<200x128xi32, #tpu.memory_space<vmem>> -> memref<1x128xi32, #tpu.memory_space<vmem>>
    %dma_start3A_46 = tpu.memref_squeeze %dma_start3A_45 : memref<1x128xi32, #tpu.memory_space<vmem>> -> memref<128xi32, #tpu.memory_space<vmem>>
    %dma_start3A_47 = arith.constant 0 : i32
    %dma_start3A_48 = arith.constant 0 : i32
    %dma_start3A_49 = tpu.memref_slice %arg3[%dma_start3A_47, %dma_start3A_48] : memref<1000000x32xf32, #tpu.memory_space<hbm>> -> memref<1000000x32xf32, #tpu.memory_space<hbm>>
    tpu.enqueue_indirect_dma source(%dma_start3A_49 : memref<1000000x32xf32, #tpu.memory_space<hbm>>) target(%dma_start3A_43 : memref<128x32xf32, #tpu.memory_space<vmem>>) offsets(%dma_start3A_46 : memref<128xi32, #tpu.memory_space<vmem>>) semaphore(%arg7 : memref<!tpu.dma_semaphore, #tpu.memory_space<semaphore_mem>>)
    %dma_start3A_50 = arith.constant 4 : i32
    %dma_start3A_51 = arith.constant 0 : i32
    %dma_start3A_52 = arith.constant 512 : i32
    %dma_start3A_53 = arith.constant 0 : i32
    %dma_start3A_54 = tpu.memref_slice %arg6[%dma_start3A_51, %dma_start3A_52, %dma_start3A_53] : memref<3x640x32xf32, #tpu.memory_space<vmem>> -> memref<1x128x32xf32, #tpu.memory_space<vmem>>
    %dma_start3A_55 = tpu.memref_squeeze %dma_start3A_54 : memref<1x128x32xf32, #tpu.memory_space<vmem>> -> memref<128x32xf32, #tpu.memory_space<vmem>>
    %dma_start3A_56 = arith.constant 0 : i32
    %dma_start3A_57 = tpu.memref_slice %arg5[%dma_start3A_50, %dma_start3A_56] : memref<200x128xi32, #tpu.memory_space<vmem>> -> memref<1x128xi32, #tpu.memory_space<vmem>>
    %dma_start3A_58 = tpu.memref_squeeze %dma_start3A_57 : memref<1x128xi32, #tpu.memory_space<vmem>> -> memref<128xi32, #tpu.memory_space<vmem>>
    %dma_start3A_59 = arith.constant 0 : i32
    %dma_start3A_60 = arith.constant 0 : i32
    %dma_start3A_61 = tpu.memref_slice %arg3[%dma_start3A_59, %dma_start3A_60] : memref<1000000x32xf32, #tpu.memory_space<hbm>> -> memref<1000000x32xf32, #tpu.memory_space<hbm>>
    tpu.enqueue_indirect_dma source(%dma_start3A_61 : memref<1000000x32xf32, #tpu.memory_space<hbm>>) target(%dma_start3A_55 : memref<128x32xf32, #tpu.memory_space<vmem>>) offsets(%dma_start3A_58 : memref<128xi32, #tpu.memory_space<vmem>>) semaphore(%arg7 : memref<!tpu.dma_semaphore, #tpu.memory_space<semaphore_mem>>)
    %dma_start3A_62 = arith.constant 5 : i32
    %dma_start3A_63 = arith.constant 1 : i32
    %dma_start3A_64 = arith.constant 0 : i32
    %dma_start3A_65 = arith.constant 0 : i32
    %dma_start3A_66 = tpu.memref_slice %arg6[%dma_start3A_63, %dma_start3A_64, %dma_start3A_65] : memref<3x640x32xf32, #tpu.memory_space<vmem>> -> memref<1x128x32xf32, #tpu.memory_space<vmem>>
    %dma_start3A_67 = tpu.memref_squeeze %dma_start3A_66 : memref<1x128x32xf32, #tpu.memory_space<vmem>> -> memref<128x32xf32, #tpu.memory_space<vmem>>
    %dma_start3A_68 = arith.constant 0 : i32
    %dma_start3A_69 = tpu.memref_slice %arg5[%dma_start3A_62, %dma_start3A_68] : memref<200x128xi32, #tpu.memory_space<vmem>> -> memref<1x128xi32, #tpu.memory_space<vmem>>
    %dma_start3A_70 = tpu.memref_squeeze %dma_start3A_69 : memref<1x128xi32, #tpu.memory_space<vmem>> -> memref<128xi32, #tpu.memory_space<vmem>>
    %dma_start3A_71 = arith.constant 0 : i32
    %dma_start3A_72 = arith.constant 0 : i32
    %dma_start3A_73 = tpu.memref_slice %arg3[%dma_start3A_71, %dma_start3A_72] : memref<1000000x32xf32, #tpu.memory_space<hbm>> -> memref<1000000x32xf32, #tpu.memory_space<hbm>>
    tpu.enqueue_indirect_dma source(%dma_start3A_73 : memref<1000000x32xf32, #tpu.memory_space<hbm>>) target(%dma_start3A_67 : memref<128x32xf32, #tpu.memory_space<vmem>>) offsets(%dma_start3A_70 : memref<128xi32, #tpu.memory_space<vmem>>) semaphore(%arg8 : memref<!tpu.dma_semaphore, #tpu.memory_space<semaphore_mem>>)
    %dma_start3A_74 = arith.constant 6 : i32
    %dma_start3A_75 = arith.constant 1 : i32
    %dma_start3A_76 = arith.constant 128 : i32
    %dma_start3A_77 = arith.constant 0 : i32
    %dma_start3A_78 = tpu.memref_slice %arg6[%dma_start3A_75, %dma_start3A_76, %dma_start3A_77] : memref<3x640x32xf32, #tpu.memory_space<vmem>> -> memref<1x128x32xf32, #tpu.memory_space<vmem>>
    %dma_start3A_79 = tpu.memref_squeeze %dma_start3A_78 : memref<1x128x32xf32, #tpu.memory_space<vmem>> -> memref<128x32xf32, #tpu.memory_space<vmem>>
    %dma_start3A_80 = arith.constant 0 : i32
    %dma_start3A_81 = tpu.memref_slice %arg5[%dma_start3A_74, %dma_start3A_80] : memref<200x128xi32, #tpu.memory_space<vmem>> -> memref<1x128xi32, #tpu.memory_space<vmem>>
    %dma_start3A_82 = tpu.memref_squeeze %dma_start3A_81 : memref<1x128xi32, #tpu.memory_space<vmem>> -> memref<128xi32, #tpu.memory_space<vmem>>
    %dma_start3A_83 = arith.constant 0 : i32
    %dma_start3A_84 = arith.constant 0 : i32
    %dma_start3A_85 = tpu.memref_slice %arg3[%dma_start3A_83, %dma_start3A_84] : memref<1000000x32xf32, #tpu.memory_space<hbm>> -> memref<1000000x32xf32, #tpu.memory_space<hbm>>
    tpu.enqueue_indirect_dma source(%dma_start3A_85 : memref<1000000x32xf32, #tpu.memory_space<hbm>>) target(%dma_start3A_79 : memref<128x32xf32, #tpu.memory_space<vmem>>) offsets(%dma_start3A_82 : memref<128xi32, #tpu.memory_space<vmem>>) semaphore(%arg8 : memref<!tpu.dma_semaphore, #tpu.memory_space<semaphore_mem>>)
    %dma_start3A_86 = arith.constant 7 : i32
    %dma_start3A_87 = arith.constant 1 : i32
    %dma_start3A_88 = arith.constant 256 : i32
    %dma_start3A_89 = arith.constant 0 : i32
    %dma_start3A_90 = tpu.memref_slice %arg6[%dma_start3A_87, %dma_start3A_88, %dma_start3A_89] : memref<3x640x32xf32, #tpu.memory_space<vmem>> -> memref<1x128x32xf32, #tpu.memory_space<vmem>>
    %dma_start3A_91 = tpu.memref_squeeze %dma_start3A_90 : memref<1x128x32xf32, #tpu.memory_space<vmem>> -> memref<128x32xf32, #tpu.memory_space<vmem>>
    %dma_start3A_92 = arith.constant 0 : i32
    %dma_start3A_93 = tpu.memref_slice %arg5[%dma_start3A_86, %dma_start3A_92] : memref<200x128xi32, #tpu.memory_space<vmem>> -> memref<1x128xi32, #tpu.memory_space<vmem>>
    %dma_start3A_94 = tpu.memref_squeeze %dma_start3A_93 : memref<1x128xi32, #tpu.memory_space<vmem>> -> memref<128xi32, #tpu.memory_space<vmem>>
    %dma_start3A_95 = arith.constant 0 : i32
    %dma_start3A_96 = arith.constant 0 : i32
    %dma_start3A_97 = tpu.memref_slice %arg3[%dma_start3A_95, %dma_start3A_96] : memref<1000000x32xf32, #tpu.memory_space<hbm>> -> memref<1000000x32xf32, #tpu.memory_space<hbm>>
    tpu.enqueue_indirect_dma source(%dma_start3A_97 : memref<1000000x32xf32, #tpu.memory_space<hbm>>) target(%dma_start3A_91 : memref<128x32xf32, #tpu.memory_space<vmem>>) offsets(%dma_start3A_94 : memref<128xi32, #tpu.memory_space<vmem>>) semaphore(%arg8 : memref<!tpu.dma_semaphore, #tpu.memory_space<semaphore_mem>>)
    %dma_start3A_98 = arith.constant 8 : i32
    %dma_start3A_99 = arith.constant 1 : i32
    %dma_start3A_100 = arith.constant 384 : i32
    %dma_start3A_101 = arith.constant 0 : i32
    %dma_start3A_102 = tpu.memref_slice %arg6[%dma_start3A_99, %dma_start3A_100, %dma_start3A_101] : memref<3x640x32xf32, #tpu.memory_space<vmem>> -> memref<1x128x32xf32, #tpu.memory_space<vmem>>
    %dma_start3A_103 = tpu.memref_squeeze %dma_start3A_102 : memref<1x128x32xf32, #tpu.memory_space<vmem>> -> memref<128x32xf32, #tpu.memory_space<vmem>>
    %dma_start3A_104 = arith.constant 0 : i32
    %dma_start3A_105 = tpu.memref_slice %arg5[%dma_start3A_98, %dma_start3A_104] : memref<200x128xi32, #tpu.memory_space<vmem>> -> memref<1x128xi32, #tpu.memory_space<vmem>>
    %dma_start3A_106 = tpu.memref_squeeze %dma_start3A_105 : memref<1x128xi32, #tpu.memory_space<vmem>> -> memref<128xi32, #tpu.memory_space<vmem>>
    %dma_start3A_107 = arith.constant 0 : i32
    %dma_start3A_108 = arith.constant 0 : i32
    %dma_start3A_109 = tpu.memref_slice %arg3[%dma_start3A_107, %dma_start3A_108] : memref<1000000x32xf32, #tpu.memory_space<hbm>> -> memref<1000000x32xf32, #tpu.memory_space<hbm>>
    tpu.enqueue_indirect_dma source(%dma_start3A_109 : memref<1000000x32xf32, #tpu.memory_space<hbm>>) target(%dma_start3A_103 : memref<128x32xf32, #tpu.memory_space<vmem>>) offsets(%dma_start3A_106 : memref<128xi32, #tpu.memory_space<vmem>>) semaphore(%arg8 : memref<!tpu.dma_semaphore, #tpu.memory_space<semaphore_mem>>)
    %dma_start3A_110 = arith.constant 9 : i32
    %dma_start3A_111 = arith.constant 1 : i32
    %dma_start3A_112 = arith.constant 512 : i32
    %dma_start3A_113 = arith.constant 0 : i32
    %dma_start3A_114 = tpu.memref_slice %arg6[%dma_start3A_111, %dma_start3A_112, %dma_start3A_113] : memref<3x640x32xf32, #tpu.memory_space<vmem>> -> memref<1x128x32xf32, #tpu.memory_space<vmem>>
    %dma_start3A_115 = tpu.memref_squeeze %dma_start3A_114 : memref<1x128x32xf32, #tpu.memory_space<vmem>> -> memref<128x32xf32, #tpu.memory_space<vmem>>
    %dma_start3A_116 = arith.constant 0 : i32
    %dma_start3A_117 = tpu.memref_slice %arg5[%dma_start3A_110, %dma_start3A_116] : memref<200x128xi32, #tpu.memory_space<vmem>> -> memref<1x128xi32, #tpu.memory_space<vmem>>
    %dma_start3A_118 = tpu.memref_squeeze %dma_start3A_117 : memref<1x128xi32, #tpu.memory_space<vmem>> -> memref<128xi32, #tpu.memory_space<vmem>>
    %dma_start3A_119 = arith.constant 0 : i32
    %dma_start3A_120 = arith.constant 0 : i32
    %dma_start3A_121 = tpu.memref_slice %arg3[%dma_start3A_119, %dma_start3A_120] : memref<1000000x32xf32, #tpu.memory_space<hbm>> -> memref<1000000x32xf32, #tpu.memory_space<hbm>>
    tpu.enqueue_indirect_dma source(%dma_start3A_121 : memref<1000000x32xf32, #tpu.memory_space<hbm>>) target(%dma_start3A_115 : memref<128x32xf32, #tpu.memory_space<vmem>>) offsets(%dma_start3A_118 : memref<128xi32, #tpu.memory_space<vmem>>) semaphore(%arg8 : memref<!tpu.dma_semaphore, #tpu.memory_space<semaphore_mem>>)
    %dma_wait3A = arith.constant 0 : i32
    %dma_wait3A_122 = arith.constant 0 : i32
    %dma_wait3A_123 = arith.constant 0 : i32
    %dma_wait3A_124 = tpu.memref_slice %arg6[%dma_wait3A, %dma_wait3A_122, %dma_wait3A_123] : memref<3x640x32xf32, #tpu.memory_space<vmem>> -> memref<1x640x32xf32, #tpu.memory_space<vmem>>
    %dma_wait3A_125 = tpu.memref_squeeze %dma_wait3A_124 : memref<1x640x32xf32, #tpu.memory_space<vmem>> -> memref<640x32xf32, #tpu.memory_space<vmem>>
    %dma_wait3A_126 = arith.constant 0 : i32
    %dma_wait3A_127 = arith.constant 0 : i32
    %dma_wait3A_128 = tpu.memref_slice %arg3[%dma_wait3A_126, %dma_wait3A_127] : memref<1000000x32xf32, #tpu.memory_space<hbm>> -> memref<640x32xf32, #tpu.memory_space<hbm>>
    %dma_wait3A_129 = arith.constant 0 : i32
    %dma_wait3A_130 = arith.constant 0 : i32
    %dma_wait3A_131 = tpu.memref_slice %arg6[%dma_wait3A, %dma_wait3A_129, %dma_wait3A_130] : memref<3x640x32xf32, #tpu.memory_space<vmem>> -> memref<1x640x32xf32, #tpu.memory_space<vmem>>
    %dma_wait3A_132 = tpu.memref_squeeze %dma_wait3A_131 : memref<1x640x32xf32, #tpu.memory_space<vmem>> -> memref<640x32xf32, #tpu.memory_space<vmem>>
    %dma_wait3A_133 = arith.constant 0 : i32
    %dma_wait3A_134 = arith.constant 0 : i32
    %dma_wait3A_135 = tpu.memref_slice %arg3[%dma_wait3A_133, %dma_wait3A_134] : memref<1000000x32xf32, #tpu.memory_space<hbm>> -> memref<640x32xf32, #tpu.memory_space<hbm>>
    tpu.wait_dma2 semaphore(%arg7 : memref<!tpu.dma_semaphore, #tpu.memory_space<semaphore_mem>>) src(%dma_wait3A_135 : memref<640x32xf32, #tpu.memory_space<hbm>>) dst(%dma_wait3A_132 : memref<640x32xf32, #tpu.memory_space<vmem>>)
    %dma_start3A_136 = arith.constant 10 : i32
    %dma_start3A_137 = arith.constant 2 : i32
    %dma_start3A_138 = arith.constant 0 : i32
    %dma_start3A_139 = arith.constant 0 : i32
    %dma_start3A_140 = tpu.memref_slice %arg6[%dma_start3A_137, %dma_start3A_138, %dma_start3A_139] : memref<3x640x32xf32, #tpu.memory_space<vmem>> -> memref<1x128x32xf32, #tpu.memory_space<vmem>>
    %dma_start3A_141 = tpu.memref_squeeze %dma_start3A_140 : memref<1x128x32xf32, #tpu.memory_space<vmem>> -> memref<128x32xf32, #tpu.memory_space<vmem>>
    %dma_start3A_142 = arith.constant 0 : i32
    %dma_start3A_143 = tpu.memref_slice %arg5[%dma_start3A_136, %dma_start3A_142] : memref<200x128xi32, #tpu.memory_space<vmem>> -> memref<1x128xi32, #tpu.memory_space<vmem>>
    %dma_start3A_144 = tpu.memref_squeeze %dma_start3A_143 : memref<1x128xi32, #tpu.memory_space<vmem>> -> memref<128xi32, #tpu.memory_space<vmem>>
    %dma_start3A_145 = arith.constant 0 : i32
    %dma_start3A_146 = arith.constant 0 : i32
    %dma_start3A_147 = tpu.memref_slice %arg3[%dma_start3A_145, %dma_start3A_146] : memref<1000000x32xf32, #tpu.memory_space<hbm>> -> memref<1000000x32xf32, #tpu.memory_space<hbm>>
    tpu.enqueue_indirect_dma source(%dma_start3A_147 : memref<1000000x32xf32, #tpu.memory_space<hbm>>) target(%dma_start3A_141 : memref<128x32xf32, #tpu.memory_space<vmem>>) offsets(%dma_start3A_144 : memref<128xi32, #tpu.memory_space<vmem>>) semaphore(%arg9 : memref<!tpu.dma_semaphore, #tpu.memory_space<semaphore_mem>>)
    %dma_start3A_148 = arith.constant 11 : i32
    %dma_start3A_149 = arith.constant 2 : i32
    %dma_start3A_150 = arith.constant 128 : i32
    %dma_start3A_151 = arith.constant 0 : i32
    %dma_start3A_152 = tpu.memref_slice %arg6[%dma_start3A_149, %dma_start3A_150, %dma_start3A_151] : memref<3x640x32xf32, #tpu.memory_space<vmem>> -> memref<1x128x32xf32, #tpu.memory_space<vmem>>
    %dma_start3A_153 = tpu.memref_squeeze %dma_start3A_152 : memref<1x128x32xf32, #tpu.memory_space<vmem>> -> memref<128x32xf32, #tpu.memory_space<vmem>>
    %dma_start3A_154 = arith.constant 0 : i32
    %dma_start3A_155 = tpu.memref_slice %arg5[%dma_start3A_148, %dma_start3A_154] : memref<200x128xi32, #tpu.memory_space<vmem>> -> memref<1x128xi32, #tpu.memory_space<vmem>>
    %dma_start3A_156 = tpu.memref_squeeze %dma_start3A_155 : memref<1x128xi32, #tpu.memory_space<vmem>> -> memref<128xi32, #tpu.memory_space<vmem>>
    %dma_start3A_157 = arith.constant 0 : i32
    %dma_start3A_158 = arith.constant 0 : i32
    %dma_start3A_159 = tpu.memref_slice %arg3[%dma_start3A_157, %dma_start3A_158] : memref<1000000x32xf32, #tpu.memory_space<hbm>> -> memref<1000000x32xf32, #tpu.memory_space<hbm>>
    tpu.enqueue_indirect_dma source(%dma_start3A_159 : memref<1000000x32xf32, #tpu.memory_space<hbm>>) target(%dma_start3A_153 : memref<128x32xf32, #tpu.memory_space<vmem>>) offsets(%dma_start3A_156 : memref<128xi32, #tpu.memory_space<vmem>>) semaphore(%arg9 : memref<!tpu.dma_semaphore, #tpu.memory_space<semaphore_mem>>)
    %dma_start3A_160 = arith.constant 12 : i32
    %dma_start3A_161 = arith.constant 2 : i32
    %dma_start3A_162 = arith.constant 256 : i32
    %dma_start3A_163 = arith.constant 0 : i32
    %dma_start3A_164 = tpu.memref_slice %arg6[%dma_start3A_161, %dma_start3A_162, %dma_start3A_163] : memref<3x640x32xf32, #tpu.memory_space<vmem>> -> memref<1x128x32xf32, #tpu.memory_space<vmem>>
    %dma_start3A_165 = tpu.memref_squeeze %dma_start3A_164 : memref<1x128x32xf32, #tpu.memory_space<vmem>> -> memref<128x32xf32, #tpu.memory_space<vmem>>
    %dma_start3A_166 = arith.constant 0 : i32
    %dma_start3A_167 = tpu.memref_slice %arg5[%dma_start3A_160, %dma_start3A_166] : memref<200x128xi32, #tpu.memory_space<vmem>> -> memref<1x128xi32, #tpu.memory_space<vmem>>
    %dma_start3A_168 = tpu.memref_squeeze %dma_start3A_167 : memref<1x128xi32, #tpu.memory_space<vmem>> -> memref<128xi32, #tpu.memory_space<vmem>>
    %dma_start3A_169 = arith.constant 0 : i32
    %dma_start3A_170 = arith.constant 0 : i32
    %dma_start3A_171 = tpu.memref_slice %arg3[%dma_start3A_169, %dma_start3A_170] : memref<1000000x32xf32, #tpu.memory_space<hbm>> -> memref<1000000x32xf32, #tpu.memory_space<hbm>>
    tpu.enqueue_indirect_dma source(%dma_start3A_171 : memref<1000000x32xf32, #tpu.memory_space<hbm>>) target(%dma_start3A_165 : memref<128x32xf32, #tpu.memory_space<vmem>>) offsets(%dma_start3A_168 : memref<128xi32, #tpu.memory_space<vmem>>) semaphore(%arg9 : memref<!tpu.dma_semaphore, #tpu.memory_space<semaphore_mem>>)
    %dma_start3A_172 = arith.constant 13 : i32
    %dma_start3A_173 = arith.constant 2 : i32
    %dma_start3A_174 = arith.constant 384 : i32
    %dma_start3A_175 = arith.constant 0 : i32
    %dma_start3A_176 = tpu.memref_slice %arg6[%dma_start3A_173, %dma_start3A_174, %dma_start3A_175] : memref<3x640x32xf32, #tpu.memory_space<vmem>> -> memref<1x128x32xf32, #tpu.memory_space<vmem>>
    %dma_start3A_177 = tpu.memref_squeeze %dma_start3A_176 : memref<1x128x32xf32, #tpu.memory_space<vmem>> -> memref<128x32xf32, #tpu.memory_space<vmem>>
    %dma_start3A_178 = arith.constant 0 : i32
    %dma_start3A_179 = tpu.memref_slice %arg5[%dma_start3A_172, %dma_start3A_178] : memref<200x128xi32, #tpu.memory_space<vmem>> -> memref<1x128xi32, #tpu.memory_space<vmem>>
    %dma_start3A_180 = tpu.memref_squeeze %dma_start3A_179 : memref<1x128xi32, #tpu.memory_space<vmem>> -> memref<128xi32, #tpu.memory_space<vmem>>
    %dma_start3A_181 = arith.constant 0 : i32
    %dma_start3A_182 = arith.constant 0 : i32
    %dma_start3A_183 = tpu.memref_slice %arg3[%dma_start3A_181, %dma_start3A_182] : memref<1000000x32xf32, #tpu.memory_space<hbm>> -> memref<1000000x32xf32, #tpu.memory_space<hbm>>
    tpu.enqueue_indirect_dma source(%dma_start3A_183 : memref<1000000x32xf32, #tpu.memory_space<hbm>>) target(%dma_start3A_177 : memref<128x32xf32, #tpu.memory_space<vmem>>) offsets(%dma_start3A_180 : memref<128xi32, #tpu.memory_space<vmem>>) semaphore(%arg9 : memref<!tpu.dma_semaphore, #tpu.memory_space<semaphore_mem>>)
    %dma_start3A_184 = arith.constant 14 : i32
    %dma_start3A_185 = arith.constant 2 : i32
    %dma_start3A_186 = arith.constant 512 : i32
    %dma_start3A_187 = arith.constant 0 : i32
    %dma_start3A_188 = tpu.memref_slice %arg6[%dma_start3A_185, %dma_start3A_186, %dma_start3A_187] : memref<3x640x32xf32, #tpu.memory_space<vmem>> -> memref<1x128x32xf32, #tpu.memory_space<vmem>>
    %dma_start3A_189 = tpu.memref_squeeze %dma_start3A_188 : memref<1x128x32xf32, #tpu.memory_space<vmem>> -> memref<128x32xf32, #tpu.memory_space<vmem>>
    %dma_start3A_190 = arith.constant 0 : i32
    %dma_start3A_191 = tpu.memref_slice %arg5[%dma_start3A_184, %dma_start3A_190] : memref<200x128xi32, #tpu.memory_space<vmem>> -> memref<1x128xi32, #tpu.memory_space<vmem>>
    %dma_start3A_192 = tpu.memref_squeeze %dma_start3A_191 : memref<1x128xi32, #tpu.memory_space<vmem>> -> memref<128xi32, #tpu.memory_space<vmem>>
    %dma_start3A_193 = arith.constant 0 : i32
    %dma_start3A_194 = arith.constant 0 : i32
    %dma_start3A_195 = tpu.memref_slice %arg3[%dma_start3A_193, %dma_start3A_194] : memref<1000000x32xf32, #tpu.memory_space<hbm>> -> memref<1000000x32xf32, #tpu.memory_space<hbm>>
    tpu.enqueue_indirect_dma source(%dma_start3A_195 : memref<1000000x32xf32, #tpu.memory_space<hbm>>) target(%dma_start3A_189 : memref<128x32xf32, #tpu.memory_space<vmem>>) offsets(%dma_start3A_192 : memref<128xi32, #tpu.memory_space<vmem>>) semaphore(%arg9 : memref<!tpu.dma_semaphore, #tpu.memory_space<semaphore_mem>>)
    %add3A_196 = arith.constant 0 : i32
    %add3A_197 = arith.addi %mul3A_2, %add3A_196 : i32
    %dma_start3A_198 = arith.constant 0 : i32
    %dma_start3A_199 = arith.constant 0 : i32
    %dma_start3A_200 = arith.constant 0 : i32
    %dma_start3A_201 = tpu.memref_slice %arg6[%dma_start3A_198, %dma_start3A_199, %dma_start3A_200] : memref<3x640x32xf32, #tpu.memory_space<vmem>> -> memref<1x640x32xf32, #tpu.memory_space<vmem>>
    %dma_start3A_202 = tpu.memref_squeeze %dma_start3A_201 : memref<1x640x32xf32, #tpu.memory_space<vmem>> -> memref<640x32xf32, #tpu.memory_space<vmem>>
    %dma_start3A_203 = arith.constant 0 : i32
    %dma_start3A_204 = tpu.memref_slice %arg4[%add3A_197, %dma_start3A_203] : memref<819200x32xf32, #tpu.memory_space<hbm>> -> memref<640x32xf32, #tpu.memory_space<hbm>>
    %dma_start3A_205 = arith.constant 0 : i32
    %dma_start3A_206 = tpu.memref_slice %arg4[%add3A_197, %dma_start3A_205] : memref<819200x32xf32, #tpu.memory_space<hbm>> -> memref<640x32xf32, #tpu.memory_space<hbm>>
    %dma_start3A_207 = arith.constant 0 : i32
    %dma_start3A_208 = arith.constant 0 : i32
    %dma_start3A_209 = tpu.memref_slice %arg6[%dma_start3A_198, %dma_start3A_207, %dma_start3A_208] : memref<3x640x32xf32, #tpu.memory_space<vmem>> -> memref<1x640x32xf32, #tpu.memory_space<vmem>>
    %dma_start3A_210 = tpu.memref_squeeze %dma_start3A_209 : memref<1x640x32xf32, #tpu.memory_space<vmem>> -> memref<640x32xf32, #tpu.memory_space<vmem>>
    tpu.enqueue_dma source(%dma_start3A_210 : memref<640x32xf32, #tpu.memory_space<vmem>>) target(%dma_start3A_206 : memref<640x32xf32, #tpu.memory_space<hbm>>) target_semaphore(%arg10 : memref<!tpu.dma_semaphore, #tpu.memory_space<semaphore_mem>>)
    %dma_wait3A_211 = arith.constant 1 : i32
    %dma_wait3A_212 = arith.constant 0 : i32
    %dma_wait3A_213 = arith.constant 0 : i32
    %dma_wait3A_214 = tpu.memref_slice %arg6[%dma_wait3A_211, %dma_wait3A_212, %dma_wait3A_213] : memref<3x640x32xf32, #tpu.memory_space<vmem>> -> memref<1x640x32xf32, #tpu.memory_space<vmem>>
    %dma_wait3A_215 = tpu.memref_squeeze %dma_wait3A_214 : memref<1x640x32xf32, #tpu.memory_space<vmem>> -> memref<640x32xf32, #tpu.memory_space<vmem>>
    %dma_wait3A_216 = arith.constant 0 : i32
    %dma_wait3A_217 = arith.constant 0 : i32
    %dma_wait3A_218 = tpu.memref_slice %arg3[%dma_wait3A_216, %dma_wait3A_217] : memref<1000000x32xf32, #tpu.memory_space<hbm>> -> memref<640x32xf32, #tpu.memory_space<hbm>>
    %dma_wait3A_219 = arith.constant 0 : i32
    %dma_wait3A_220 = arith.constant 0 : i32
    %dma_wait3A_221 = tpu.memref_slice %arg6[%dma_wait3A_211, %dma_wait3A_219, %dma_wait3A_220] : memref<3x640x32xf32, #tpu.memory_space<vmem>> -> memref<1x640x32xf32, #tpu.memory_space<vmem>>
    %dma_wait3A_222 = tpu.memref_squeeze %dma_wait3A_221 : memref<1x640x32xf32, #tpu.memory_space<vmem>> -> memref<640x32xf32, #tpu.memory_space<vmem>>
    %dma_wait3A_223 = arith.constant 0 : i32
    %dma_wait3A_224 = arith.constant 0 : i32
    %dma_wait3A_225 = tpu.memref_slice %arg3[%dma_wait3A_223, %dma_wait3A_224] : memref<1000000x32xf32, #tpu.memory_space<hbm>> -> memref<640x32xf32, #tpu.memory_space<hbm>>
    tpu.wait_dma2 semaphore(%arg8 : memref<!tpu.dma_semaphore, #tpu.memory_space<semaphore_mem>>) src(%dma_wait3A_225 : memref<640x32xf32, #tpu.memory_space<hbm>>) dst(%dma_wait3A_222 : memref<640x32xf32, #tpu.memory_space<vmem>>)
    %dma_wait3A_226 = arith.constant 0 : i32
    %dma_wait3A_227 = arith.constant 0 : i32
    %dma_wait3A_228 = arith.constant 0 : i32
    %dma_wait3A_229 = tpu.memref_slice %arg6[%dma_wait3A_226, %dma_wait3A_227, %dma_wait3A_228] : memref<3x640x32xf32, #tpu.memory_space<vmem>> -> memref<1x640x32xf32, #tpu.memory_space<vmem>>
    %dma_wait3A_230 = tpu.memref_squeeze %dma_wait3A_229 : memref<1x640x32xf32, #tpu.memory_space<vmem>> -> memref<640x32xf32, #tpu.memory_space<vmem>>
    %dma_wait3A_231 = arith.constant 0 : i32
    %dma_wait3A_232 = tpu.memref_slice %arg4[%mul3A_2, %dma_wait3A_231] : memref<819200x32xf32, #tpu.memory_space<hbm>> -> memref<640x32xf32, #tpu.memory_space<hbm>>
    %dma_wait3A_233 = arith.constant 0 : i32
    %dma_wait3A_234 = tpu.memref_slice %arg4[%mul3A_2, %dma_wait3A_233] : memref<819200x32xf32, #tpu.memory_space<hbm>> -> memref<640x32xf32, #tpu.memory_space<hbm>>
    %dma_wait3A_235 = arith.constant 0 : i32
    %dma_wait3A_236 = arith.constant 0 : i32
    %dma_wait3A_237 = tpu.memref_slice %arg6[%dma_wait3A_226, %dma_wait3A_235, %dma_wait3A_236] : memref<3x640x32xf32, #tpu.memory_space<vmem>> -> memref<1x640x32xf32, #tpu.memory_space<vmem>>
    %dma_wait3A_238 = tpu.memref_squeeze %dma_wait3A_237 : memref<1x640x32xf32, #tpu.memory_space<vmem>> -> memref<640x32xf32, #tpu.memory_space<vmem>>
    tpu.wait_dma2 semaphore(%arg10 : memref<!tpu.dma_semaphore, #tpu.memory_space<semaphore_mem>>) src(%dma_wait3A_238 : memref<640x32xf32, #tpu.memory_space<vmem>>) dst(%dma_wait3A_234 : memref<640x32xf32, #tpu.memory_space<hbm>>)
    %dma_start3A_239 = arith.constant 15 : i32
    %dma_start3A_240 = arith.constant 0 : i32
    %dma_start3A_241 = arith.constant 0 : i32
    %dma_start3A_242 = arith.constant 0 : i32
    %dma_start3A_243 = tpu.memref_slice %arg6[%dma_start3A_240, %dma_start3A_241, %dma_start3A_242] : memref<3x640x32xf32, #tpu.memory_space<vmem>> -> memref<1x128x32xf32, #tpu.memory_space<vmem>>
    %dma_start3A_244 = tpu.memref_squeeze %dma_start3A_243 : memref<1x128x32xf32, #tpu.memory_space<vmem>> -> memref<128x32xf32, #tpu.memory_space<vmem>>
    %dma_start3A_245 = arith.constant 0 : i32
    %dma_start3A_246 = tpu.memref_slice %arg5[%dma_start3A_239, %dma_start3A_245] : memref<200x128xi32, #tpu.memory_space<vmem>> -> memref<1x128xi32, #tpu.memory_space<vmem>>
    %dma_start3A_247 = tpu.memref_squeeze %dma_start3A_246 : memref<1x128xi32, #tpu.memory_space<vmem>> -> memref<128xi32, #tpu.memory_space<vmem>>
    %dma_start3A_248 = arith.constant 0 : i32
    %dma_start3A_249 = arith.constant 0 : i32
    %dma_start3A_250 = tpu.memref_slice %arg3[%dma_start3A_248, %dma_start3A_249] : memref<1000000x32xf32, #tpu.memory_space<hbm>> -> memref<1000000x32xf32, #tpu.memory_space<hbm>>
    tpu.enqueue_indirect_dma source(%dma_start3A_250 : memref<1000000x32xf32, #tpu.memory_space<hbm>>) target(%dma_start3A_244 : memref<128x32xf32, #tpu.memory_space<vmem>>) offsets(%dma_start3A_247 : memref<128xi32, #tpu.memory_space<vmem>>) semaphore(%arg7 : memref<!tpu.dma_semaphore, #tpu.memory_space<semaphore_mem>>)
    %dma_start3A_251 = arith.constant 16 : i32
    %dma_start3A_252 = arith.constant 0 : i32
    %dma_start3A_253 = arith.constant 128 : i32
    %dma_start3A_254 = arith.constant 0 : i32
    %dma_start3A_255 = tpu.memref_slice %arg6[%dma_start3A_252, %dma_start3A_253, %dma_start3A_254] : memref<3x640x32xf32, #tpu.memory_space<vmem>> -> memref<1x128x32xf32, #tpu.memory_space<vmem>>
    %dma_start3A_256 = tpu.memref_squeeze %dma_start3A_255 : memref<1x128x32xf32, #tpu.memory_space<vmem>> -> memref<128x32xf32, #tpu.memory_space<vmem>>
    %dma_start3A_257 = arith.constant 0 : i32
    %dma_start3A_258 = tpu.memref_slice %arg5[%dma_start3A_251, %dma_start3A_257] : memref<200x128xi32, #tpu.memory_space<vmem>> -> memref<1x128xi32, #tpu.memory_space<vmem>>
    %dma_start3A_259 = tpu.memref_squeeze %dma_start3A_258 : memref<1x128xi32, #tpu.memory_space<vmem>> -> memref<128xi32, #tpu.memory_space<vmem>>
    %dma_start3A_260 = arith.constant 0 : i32
    %dma_start3A_261 = arith.constant 0 : i32
    %dma_start3A_262 = tpu.memref_slice %arg3[%dma_start3A_260, %dma_start3A_261] : memref<1000000x32xf32, #tpu.memory_space<hbm>> -> memref<1000000x32xf32, #tpu.memory_space<hbm>>
    tpu.enqueue_indirect_dma source(%dma_start3A_262 : memref<1000000x32xf32, #tpu.memory_space<hbm>>) target(%dma_start3A_256 : memref<128x32xf32, #tpu.memory_space<vmem>>) offsets(%dma_start3A_259 : memref<128xi32, #tpu.memory_space<vmem>>) semaphore(%arg7 : memref<!tpu.dma_semaphore, #tpu.memory_space<semaphore_mem>>)
    %dma_start3A_263 = arith.constant 17 : i32
    %dma_start3A_264 = arith.constant 0 : i32
    %dma_start3A_265 = arith.constant 256 : i32
    %dma_start3A_266 = arith.constant 0 : i32
    %dma_start3A_267 = tpu.memref_slice %arg6[%dma_start3A_264, %dma_start3A_265, %dma_start3A_266] : memref<3x640x32xf32, #tpu.memory_space<vmem>> -> memref<1x128x32xf32, #tpu.memory_space<vmem>>
    %dma_start3A_268 = tpu.memref_squeeze %dma_start3A_267 : memref<1x128x32xf32, #tpu.memory_space<vmem>> -> memref<128x32xf32, #tpu.memory_space<vmem>>
    %dma_start3A_269 = arith.constant 0 : i32
    %dma_start3A_270 = tpu.memref_slice %arg5[%dma_start3A_263, %dma_start3A_269] : memref<200x128xi32, #tpu.memory_space<vmem>> -> memref<1x128xi32, #tpu.memory_space<vmem>>
    %dma_start3A_271 = tpu.memref_squeeze %dma_start3A_270 : memref<1x128xi32, #tpu.memory_space<vmem>> -> memref<128xi32, #tpu.memory_space<vmem>>
    %dma_start3A_272 = arith.constant 0 : i32
    %dma_start3A_273 = arith.constant 0 : i32
    %dma_start3A_274 = tpu.memref_slice %arg3[%dma_start3A_272, %dma_start3A_273] : memref<1000000x32xf32, #tpu.memory_space<hbm>> -> memref<1000000x32xf32, #tpu.memory_space<hbm>>
    tpu.enqueue_indirect_dma source(%dma_start3A_274 : memref<1000000x32xf32, #tpu.memory_space<hbm>>) target(%dma_start3A_268 : memref<128x32xf32, #tpu.memory_space<vmem>>) offsets(%dma_start3A_271 : memref<128xi32, #tpu.memory_space<vmem>>) semaphore(%arg7 : memref<!tpu.dma_semaphore, #tpu.memory_space<semaphore_mem>>)
    %dma_start3A_275 = arith.constant 18 : i32
    %dma_start3A_276 = arith.constant 0 : i32
    %dma_start3A_277 = arith.constant 384 : i32
    %dma_start3A_278 = arith.constant 0 : i32
    %dma_start3A_279 = tpu.memref_slice %arg6[%dma_start3A_276, %dma_start3A_277, %dma_start3A_278] : memref<3x640x32xf32, #tpu.memory_space<vmem>> -> memref<1x128x32xf32, #tpu.memory_space<vmem>>
    %dma_start3A_280 = tpu.memref_squeeze %dma_start3A_279 : memref<1x128x32xf32, #tpu.memory_space<vmem>> -> memref<128x32xf32, #tpu.memory_space<vmem>>
    %dma_start3A_281 = arith.constant 0 : i32
    %dma_start3A_282 = tpu.memref_slice %arg5[%dma_start3A_275, %dma_start3A_281] : memref<200x128xi32, #tpu.memory_space<vmem>> -> memref<1x128xi32, #tpu.memory_space<vmem>>
    %dma_start3A_283 = tpu.memref_squeeze %dma_start3A_282 : memref<1x128xi32, #tpu.memory_space<vmem>> -> memref<128xi32, #tpu.memory_space<vmem>>
    %dma_start3A_284 = arith.constant 0 : i32
    %dma_start3A_285 = arith.constant 0 : i32
    %dma_start3A_286 = tpu.memref_slice %arg3[%dma_start3A_284, %dma_start3A_285] : memref<1000000x32xf32, #tpu.memory_space<hbm>> -> memref<1000000x32xf32, #tpu.memory_space<hbm>>
    tpu.enqueue_indirect_dma source(%dma_start3A_286 : memref<1000000x32xf32, #tpu.memory_space<hbm>>) target(%dma_start3A_280 : memref<128x32xf32, #tpu.memory_space<vmem>>) offsets(%dma_start3A_283 : memref<128xi32, #tpu.memory_space<vmem>>) semaphore(%arg7 : memref<!tpu.dma_semaphore, #tpu.memory_space<semaphore_mem>>)
    %dma_start3A_287 = arith.constant 19 : i32
    %dma_start3A_288 = arith.constant 0 : i32
    %dma_start3A_289 = arith.constant 512 : i32
    %dma_start3A_290 = arith.constant 0 : i32
    %dma_start3A_291 = tpu.memref_slice %arg6[%dma_start3A_288, %dma_start3A_289, %dma_start3A_290] : memref<3x640x32xf32, #tpu.memory_space<vmem>> -> memref<1x128x32xf32, #tpu.memory_space<vmem>>
    %dma_start3A_292 = tpu.memref_squeeze %dma_start3A_291 : memref<1x128x32xf32, #tpu.memory_space<vmem>> -> memref<128x32xf32, #tpu.memory_space<vmem>>
    %dma_start3A_293 = arith.constant 0 : i32
    %dma_start3A_294 = tpu.memref_slice %arg5[%dma_start3A_287, %dma_start3A_293] : memref<200x128xi32, #tpu.memory_space<vmem>> -> memref<1x128xi32, #tpu.memory_space<vmem>>
    %dma_start3A_295 = tpu.memref_squeeze %dma_start3A_294 : memref<1x128xi32, #tpu.memory_space<vmem>> -> memref<128xi32, #tpu.memory_space<vmem>>
    %dma_start3A_296 = arith.constant 0 : i32
    %dma_start3A_297 = arith.constant 0 : i32
    %dma_start3A_298 = tpu.memref_slice %arg3[%dma_start3A_296, %dma_start3A_297] : memref<1000000x32xf32, #tpu.memory_space<hbm>> -> memref<1000000x32xf32, #tpu.memory_space<hbm>>
    tpu.enqueue_indirect_dma source(%dma_start3A_298 : memref<1000000x32xf32, #tpu.memory_space<hbm>>) target(%dma_start3A_292 : memref<128x32xf32, #tpu.memory_space<vmem>>) offsets(%dma_start3A_295 : memref<128xi32, #tpu.memory_space<vmem>>) semaphore(%arg7 : memref<!tpu.dma_semaphore, #tpu.memory_space<semaphore_mem>>)
    %add3A_299 = arith.constant 640 : i32
    %add3A_300 = arith.addi %mul3A_2, %add3A_299 : i32
    %dma_start3A_301 = arith.constant 1 : i32
    %dma_start3A_302 = arith.constant 0 : i32
    %dma_start3A_303 = arith.constant 0 : i32
    %dma_start3A_304 = tpu.memref_slice %arg6[%dma_start3A_301, %dma_start3A_302, %dma_start3A_303] : memref<3x640x32xf32, #tpu.memory_space<vmem>> -> memref<1x640x32xf32, #tpu.memory_space<vmem>>
    %dma_start3A_305 = tpu.memref_squeeze %dma_start3A_304 : memref<1x640x32xf32, #tpu.memory_space<vmem>> -> memref<640x32xf32, #tpu.memory_space<vmem>>
    %dma_start3A_306 = arith.constant 0 : i32
    %dma_start3A_307 = tpu.memref_slice %arg4[%add3A_300, %dma_start3A_306] : memref<819200x32xf32, #tpu.memory_space<hbm>> -> memref<640x32xf32, #tpu.memory_space<hbm>>
    %dma_start3A_308 = arith.constant 0 : i32
    %dma_start3A_309 = tpu.memref_slice %arg4[%add3A_300, %dma_start3A_308] : memref<819200x32xf32, #tpu.memory_space<hbm>> -> memref<640x32xf32, #tpu.memory_space<hbm>>
    %dma_start3A_310 = arith.constant 0 : i32
    %dma_start3A_311 = arith.constant 0 : i32
    %dma_start3A_312 = tpu.memref_slice %arg6[%dma_start3A_301, %dma_start3A_310, %dma_start3A_311] : memref<3x640x32xf32, #tpu.memory_space<vmem>> -> memref<1x640x32xf32, #tpu.memory_space<vmem>>
    %dma_start3A_313 = tpu.memref_squeeze %dma_start3A_312 : memref<1x640x32xf32, #tpu.memory_space<vmem>> -> memref<640x32xf32, #tpu.memory_space<vmem>>
    tpu.enqueue_dma source(%dma_start3A_313 : memref<640x32xf32, #tpu.memory_space<vmem>>) target(%dma_start3A_309 : memref<640x32xf32, #tpu.memory_space<hbm>>) target_semaphore(%arg11 : memref<!tpu.dma_semaphore, #tpu.memory_space<semaphore_mem>>)
    %scan3A = arith.constant 0 : i32
    %scan3A_314 = arith.constant 12 : i32
    %scan3A_315 = arith.addi %scan3A, %scan3A_314 : i32
    %scan3A_316 = arith.constant 1 : i32
    scf.for %scan3A_417 = %scan3A to %scan3A_315 step %scan3A_316  : i32 {
      %mul3A_418 = arith.constant 3 : i32
      %mul3A_419 = arith.muli %scan3A_417, %mul3A_418 : i32
      %add3A_420 = arith.constant 2 : i32
      %add3A_421 = arith.addi %add3A_420, %mul3A_419 : i32
      %add3A_422 = arith.constant 0 : i32
      %add3A_423 = arith.addi %add3A_421, %add3A_422 : i32
      %dma_wait3A_424 = arith.constant 2 : i32
      %dma_wait3A_425 = arith.constant 0 : i32
      %dma_wait3A_426 = arith.constant 0 : i32
      %dma_wait3A_427 = tpu.memref_slice %arg6[%dma_wait3A_424, %dma_wait3A_425, %dma_wait3A_426] : memref<3x640x32xf32, #tpu.memory_space<vmem>> -> memref<1x640x32xf32, #tpu.memory_space<vmem>>
      %dma_wait3A_428 = tpu.memref_squeeze %dma_wait3A_427 : memref<1x640x32xf32, #tpu.memory_space<vmem>> -> memref<640x32xf32, #tpu.memory_space<vmem>>
      %dma_wait3A_429 = arith.constant 0 : i32
      %dma_wait3A_430 = arith.constant 0 : i32
      %dma_wait3A_431 = tpu.memref_slice %arg3[%dma_wait3A_429, %dma_wait3A_430] : memref<1000000x32xf32, #tpu.memory_space<hbm>> -> memref<640x32xf32, #tpu.memory_space<hbm>>
      %dma_wait3A_432 = arith.constant 0 : i32
      %dma_wait3A_433 = arith.constant 0 : i32
      %dma_wait3A_434 = tpu.memref_slice %arg6[%dma_wait3A_424, %dma_wait3A_432, %dma_wait3A_433] : memref<3x640x32xf32, #tpu.memory_space<vmem>> -> memref<1x640x32xf32, #tpu.memory_space<vmem>>
      %dma_wait3A_435 = tpu.memref_squeeze %dma_wait3A_434 : memref<1x640x32xf32, #tpu.memory_space<vmem>> -> memref<640x32xf32, #tpu.memory_space<vmem>>
      %dma_wait3A_436 = arith.constant 0 : i32
      %dma_wait3A_437 = arith.constant 0 : i32
      %dma_wait3A_438 = tpu.memref_slice %arg3[%dma_wait3A_436, %dma_wait3A_437] : memref<1000000x32xf32, #tpu.memory_space<hbm>> -> memref<640x32xf32, #tpu.memory_space<hbm>>
      tpu.wait_dma2 semaphore(%arg9 : memref<!tpu.dma_semaphore, #tpu.memory_space<semaphore_mem>>) src(%dma_wait3A_438 : memref<640x32xf32, #tpu.memory_space<hbm>>) dst(%dma_wait3A_435 : memref<640x32xf32, #tpu.memory_space<vmem>>)
      %dma_wait3A_439 = arith.constant 1 : i32
      %dma_wait3A_440 = arith.constant 0 : i32
      %dma_wait3A_441 = arith.constant 0 : i32
      %dma_wait3A_442 = tpu.memref_slice %arg6[%dma_wait3A_439, %dma_wait3A_440, %dma_wait3A_441] : memref<3x640x32xf32, #tpu.memory_space<vmem>> -> memref<1x640x32xf32, #tpu.memory_space<vmem>>
      %dma_wait3A_443 = tpu.memref_squeeze %dma_wait3A_442 : memref<1x640x32xf32, #tpu.memory_space<vmem>> -> memref<640x32xf32, #tpu.memory_space<vmem>>
      %dma_wait3A_444 = arith.constant 0 : i32
      %dma_wait3A_445 = tpu.memref_slice %arg4[%mul3A_2, %dma_wait3A_444] : memref<819200x32xf32, #tpu.memory_space<hbm>> -> memref<640x32xf32, #tpu.memory_space<hbm>>
      %dma_wait3A_446 = arith.constant 0 : i32
      %dma_wait3A_447 = tpu.memref_slice %arg4[%mul3A_2, %dma_wait3A_446] : memref<819200x32xf32, #tpu.memory_space<hbm>> -> memref<640x32xf32, #tpu.memory_space<hbm>>
      %dma_wait3A_448 = arith.constant 0 : i32
      %dma_wait3A_449 = arith.constant 0 : i32
      %dma_wait3A_450 = tpu.memref_slice %arg6[%dma_wait3A_439, %dma_wait3A_448, %dma_wait3A_449] : memref<3x640x32xf32, #tpu.memory_space<vmem>> -> memref<1x640x32xf32, #tpu.memory_space<vmem>>
      %dma_wait3A_451 = tpu.memref_squeeze %dma_wait3A_450 : memref<1x640x32xf32, #tpu.memory_space<vmem>> -> memref<640x32xf32, #tpu.memory_space<vmem>>
      tpu.wait_dma2 semaphore(%arg11 : memref<!tpu.dma_semaphore, #tpu.memory_space<semaphore_mem>>) src(%dma_wait3A_451 : memref<640x32xf32, #tpu.memory_space<vmem>>) dst(%dma_wait3A_447 : memref<640x32xf32, #tpu.memory_space<hbm>>)
      %add3A_452 = arith.constant 2 : i32
      %add3A_453 = arith.addi %add3A_423, %add3A_452 : i32
      %mul3A_454 = arith.constant 5 : i32
      %mul3A_455 = arith.muli %add3A_453, %mul3A_454 : i32
      %add3A_456 = arith.constant 0 : i32
      %add3A_457 = arith.addi %mul3A_455, %add3A_456 : i32
      %dma_start3A_458 = arith.constant 1 : i32
      %dma_start3A_459 = arith.constant 0 : i32
      %dma_start3A_460 = arith.constant 0 : i32
      %dma_start3A_461 = tpu.memref_slice %arg6[%dma_start3A_458, %dma_start3A_459, %dma_start3A_460] : memref<3x640x32xf32, #tpu.memory_space<vmem>> -> memref<1x128x32xf32, #tpu.memory_space<vmem>>
      %dma_start3A_462 = tpu.memref_squeeze %dma_start3A_461 : memref<1x128x32xf32, #tpu.memory_space<vmem>> -> memref<128x32xf32, #tpu.memory_space<vmem>>
      %dma_start3A_463 = arith.constant 0 : i32
      %dma_start3A_464 = tpu.memref_slice %arg5[%add3A_457, %dma_start3A_463] : memref<200x128xi32, #tpu.memory_space<vmem>> -> memref<1x128xi32, #tpu.memory_space<vmem>>
      %dma_start3A_465 = tpu.memref_squeeze %dma_start3A_464 : memref<1x128xi32, #tpu.memory_space<vmem>> -> memref<128xi32, #tpu.memory_space<vmem>>
      %dma_start3A_466 = arith.constant 0 : i32
      %dma_start3A_467 = arith.constant 0 : i32
      %dma_start3A_468 = tpu.memref_slice %arg3[%dma_start3A_466, %dma_start3A_467] : memref<1000000x32xf32, #tpu.memory_space<hbm>> -> memref<1000000x32xf32, #tpu.memory_space<hbm>>
      tpu.enqueue_indirect_dma source(%dma_start3A_468 : memref<1000000x32xf32, #tpu.memory_space<hbm>>) target(%dma_start3A_462 : memref<128x32xf32, #tpu.memory_space<vmem>>) offsets(%dma_start3A_465 : memref<128xi32, #tpu.memory_space<vmem>>) semaphore(%arg8 : memref<!tpu.dma_semaphore, #tpu.memory_space<semaphore_mem>>)
      %mul3A_469 = arith.constant 5 : i32
      %mul3A_470 = arith.muli %add3A_453, %mul3A_469 : i32
      %add3A_471 = arith.constant 1 : i32
      %add3A_472 = arith.addi %mul3A_470, %add3A_471 : i32
      %dma_start3A_473 = arith.constant 1 : i32
      %dma_start3A_474 = arith.constant 128 : i32
      %dma_start3A_475 = arith.constant 0 : i32
      %dma_start3A_476 = tpu.memref_slice %arg6[%dma_start3A_473, %dma_start3A_474, %dma_start3A_475] : memref<3x640x32xf32, #tpu.memory_space<vmem>> -> memref<1x128x32xf32, #tpu.memory_space<vmem>>
      %dma_start3A_477 = tpu.memref_squeeze %dma_start3A_476 : memref<1x128x32xf32, #tpu.memory_space<vmem>> -> memref<128x32xf32, #tpu.memory_space<vmem>>
      %dma_start3A_478 = arith.constant 0 : i32
      %dma_start3A_479 = tpu.memref_slice %arg5[%add3A_472, %dma_start3A_478] : memref<200x128xi32, #tpu.memory_space<vmem>> -> memref<1x128xi32, #tpu.memory_space<vmem>>
      %dma_start3A_480 = tpu.memref_squeeze %dma_start3A_479 : memref<1x128xi32, #tpu.memory_space<vmem>> -> memref<128xi32, #tpu.memory_space<vmem>>
      %dma_start3A_481 = arith.constant 0 : i32
      %dma_start3A_482 = arith.constant 0 : i32
      %dma_start3A_483 = tpu.memref_slice %arg3[%dma_start3A_481, %dma_start3A_482] : memref<1000000x32xf32, #tpu.memory_space<hbm>> -> memref<1000000x32xf32, #tpu.memory_space<hbm>>
      tpu.enqueue_indirect_dma source(%dma_start3A_483 : memref<1000000x32xf32, #tpu.memory_space<hbm>>) target(%dma_start3A_477 : memref<128x32xf32, #tpu.memory_space<vmem>>) offsets(%dma_start3A_480 : memref<128xi32, #tpu.memory_space<vmem>>) semaphore(%arg8 : memref<!tpu.dma_semaphore, #tpu.memory_space<semaphore_mem>>)
      %mul3A_484 = arith.constant 5 : i32
      %mul3A_485 = arith.muli %add3A_453, %mul3A_484 : i32
      %add3A_486 = arith.constant 2 : i32
      %add3A_487 = arith.addi %mul3A_485, %add3A_486 : i32
      %dma_start3A_488 = arith.constant 1 : i32
      %dma_start3A_489 = arith.constant 256 : i32
      %dma_start3A_490 = arith.constant 0 : i32
      %dma_start3A_491 = tpu.memref_slice %arg6[%dma_start3A_488, %dma_start3A_489, %dma_start3A_490] : memref<3x640x32xf32, #tpu.memory_space<vmem>> -> memref<1x128x32xf32, #tpu.memory_space<vmem>>
      %dma_start3A_492 = tpu.memref_squeeze %dma_start3A_491 : memref<1x128x32xf32, #tpu.memory_space<vmem>> -> memref<128x32xf32, #tpu.memory_space<vmem>>
      %dma_start3A_493 = arith.constant 0 : i32
      %dma_start3A_494 = tpu.memref_slice %arg5[%add3A_487, %dma_start3A_493] : memref<200x128xi32, #tpu.memory_space<vmem>> -> memref<1x128xi32, #tpu.memory_space<vmem>>
      %dma_start3A_495 = tpu.memref_squeeze %dma_start3A_494 : memref<1x128xi32, #tpu.memory_space<vmem>> -> memref<128xi32, #tpu.memory_space<vmem>>
      %dma_start3A_496 = arith.constant 0 : i32
      %dma_start3A_497 = arith.constant 0 : i32
      %dma_start3A_498 = tpu.memref_slice %arg3[%dma_start3A_496, %dma_start3A_497] : memref<1000000x32xf32, #tpu.memory_space<hbm>> -> memref<1000000x32xf32, #tpu.memory_space<hbm>>
      tpu.enqueue_indirect_dma source(%dma_start3A_498 : memref<1000000x32xf32, #tpu.memory_space<hbm>>) target(%dma_start3A_492 : memref<128x32xf32, #tpu.memory_space<vmem>>) offsets(%dma_start3A_495 : memref<128xi32, #tpu.memory_space<vmem>>) semaphore(%arg8 : memref<!tpu.dma_semaphore, #tpu.memory_space<semaphore_mem>>)
      %mul3A_499 = arith.constant 5 : i32
      %mul3A_500 = arith.muli %add3A_453, %mul3A_499 : i32
      %add3A_501 = arith.constant 3 : i32
      %add3A_502 = arith.addi %mul3A_500, %add3A_501 : i32
      %dma_start3A_503 = arith.constant 1 : i32
      %dma_start3A_504 = arith.constant 384 : i32
      %dma_start3A_505 = arith.constant 0 : i32
      %dma_start3A_506 = tpu.memref_slice %arg6[%dma_start3A_503, %dma_start3A_504, %dma_start3A_505] : memref<3x640x32xf32, #tpu.memory_space<vmem>> -> memref<1x128x32xf32, #tpu.memory_space<vmem>>
      %dma_start3A_507 = tpu.memref_squeeze %dma_start3A_506 : memref<1x128x32xf32, #tpu.memory_space<vmem>> -> memref<128x32xf32, #tpu.memory_space<vmem>>
      %dma_start3A_508 = arith.constant 0 : i32
      %dma_start3A_509 = tpu.memref_slice %arg5[%add3A_502, %dma_start3A_508] : memref<200x128xi32, #tpu.memory_space<vmem>> -> memref<1x128xi32, #tpu.memory_space<vmem>>
      %dma_start3A_510 = tpu.memref_squeeze %dma_start3A_509 : memref<1x128xi32, #tpu.memory_space<vmem>> -> memref<128xi32, #tpu.memory_space<vmem>>
      %dma_start3A_511 = arith.constant 0 : i32
      %dma_start3A_512 = arith.constant 0 : i32
      %dma_start3A_513 = tpu.memref_slice %arg3[%dma_start3A_511, %dma_start3A_512] : memref<1000000x32xf32, #tpu.memory_space<hbm>> -> memref<1000000x32xf32, #tpu.memory_space<hbm>>
      tpu.enqueue_indirect_dma source(%dma_start3A_513 : memref<1000000x32xf32, #tpu.memory_space<hbm>>) target(%dma_start3A_507 : memref<128x32xf32, #tpu.memory_space<vmem>>) offsets(%dma_start3A_510 : memref<128xi32, #tpu.memory_space<vmem>>) semaphore(%arg8 : memref<!tpu.dma_semaphore, #tpu.memory_space<semaphore_mem>>)
      %mul3A_514 = arith.constant 5 : i32
      %mul3A_515 = arith.muli %add3A_453, %mul3A_514 : i32
      %add3A_516 = arith.constant 4 : i32
      %add3A_517 = arith.addi %mul3A_515, %add3A_516 : i32
      %dma_start3A_518 = arith.constant 1 : i32
      %dma_start3A_519 = arith.constant 512 : i32
      %dma_start3A_520 = arith.constant 0 : i32
      %dma_start3A_521 = tpu.memref_slice %arg6[%dma_start3A_518, %dma_start3A_519, %dma_start3A_520] : memref<3x640x32xf32, #tpu.memory_space<vmem>> -> memref<1x128x32xf32, #tpu.memory_space<vmem>>
      %dma_start3A_522 = tpu.memref_squeeze %dma_start3A_521 : memref<1x128x32xf32, #tpu.memory_space<vmem>> -> memref<128x32xf32, #tpu.memory_space<vmem>>
      %dma_start3A_523 = arith.constant 0 : i32
      %dma_start3A_524 = tpu.memref_slice %arg5[%add3A_517, %dma_start3A_523] : memref<200x128xi32, #tpu.memory_space<vmem>> -> memref<1x128xi32, #tpu.memory_space<vmem>>
      %dma_start3A_525 = tpu.memref_squeeze %dma_start3A_524 : memref<1x128xi32, #tpu.memory_space<vmem>> -> memref<128xi32, #tpu.memory_space<vmem>>
      %dma_start3A_526 = arith.constant 0 : i32
      %dma_start3A_527 = arith.constant 0 : i32
      %dma_start3A_528 = tpu.memref_slice %arg3[%dma_start3A_526, %dma_start3A_527] : memref<1000000x32xf32, #tpu.memory_space<hbm>> -> memref<1000000x32xf32, #tpu.memory_space<hbm>>
      tpu.enqueue_indirect_dma source(%dma_start3A_528 : memref<1000000x32xf32, #tpu.memory_space<hbm>>) target(%dma_start3A_522 : memref<128x32xf32, #tpu.memory_space<vmem>>) offsets(%dma_start3A_525 : memref<128xi32, #tpu.memory_space<vmem>>) semaphore(%arg8 : memref<!tpu.dma_semaphore, #tpu.memory_space<semaphore_mem>>)
      %mul3A_529 = arith.constant 640 : i32
      %mul3A_530 = arith.muli %add3A_423, %mul3A_529 : i32
      %add3A_531 = arith.addi %mul3A_2, %mul3A_530 : i32
      %dma_start3A_532 = arith.constant 2 : i32
      %dma_start3A_533 = arith.constant 0 : i32
      %dma_start3A_534 = arith.constant 0 : i32
      %dma_start3A_535 = tpu.memref_slice %arg6[%dma_start3A_532, %dma_start3A_533, %dma_start3A_534] : memref<3x640x32xf32, #tpu.memory_space<vmem>> -> memref<1x640x32xf32, #tpu.memory_space<vmem>>
      %dma_start3A_536 = tpu.memref_squeeze %dma_start3A_535 : memref<1x640x32xf32, #tpu.memory_space<vmem>> -> memref<640x32xf32, #tpu.memory_space<vmem>>
      %dma_start3A_537 = arith.constant 0 : i32
      %dma_start3A_538 = tpu.memref_slice %arg4[%add3A_531, %dma_start3A_537] : memref<819200x32xf32, #tpu.memory_space<hbm>> -> memref<640x32xf32, #tpu.memory_space<hbm>>
      %dma_start3A_539 = arith.constant 0 : i32
      %dma_start3A_540 = tpu.memref_slice %arg4[%add3A_531, %dma_start3A_539] : memref<819200x32xf32, #tpu.memory_space<hbm>> -> memref<640x32xf32, #tpu.memory_space<hbm>>
      %dma_start3A_541 = arith.constant 0 : i32
      %dma_start3A_542 = arith.constant 0 : i32
      %dma_start3A_543 = tpu.memref_slice %arg6[%dma_start3A_532, %dma_start3A_541, %dma_start3A_542] : memref<3x640x32xf32, #tpu.memory_space<vmem>> -> memref<1x640x32xf32, #tpu.memory_space<vmem>>
      %dma_start3A_544 = tpu.memref_squeeze %dma_start3A_543 : memref<1x640x32xf32, #tpu.memory_space<vmem>> -> memref<640x32xf32, #tpu.memory_space<vmem>>
      tpu.enqueue_dma source(%dma_start3A_544 : memref<640x32xf32, #tpu.memory_space<vmem>>) target(%dma_start3A_540 : memref<640x32xf32, #tpu.memory_space<hbm>>) target_semaphore(%arg12 : memref<!tpu.dma_semaphore, #tpu.memory_space<semaphore_mem>>)
      %add3A_545 = arith.constant 1 : i32
      %add3A_546 = arith.addi %add3A_421, %add3A_545 : i32
      %dma_wait3A_547 = arith.constant 0 : i32
      %dma_wait3A_548 = arith.constant 0 : i32
      %dma_wait3A_549 = arith.constant 0 : i32
      %dma_wait3A_550 = tpu.memref_slice %arg6[%dma_wait3A_547, %dma_wait3A_548, %dma_wait3A_549] : memref<3x640x32xf32, #tpu.memory_space<vmem>> -> memref<1x640x32xf32, #tpu.memory_space<vmem>>
      %dma_wait3A_551 = tpu.memref_squeeze %dma_wait3A_550 : memref<1x640x32xf32, #tpu.memory_space<vmem>> -> memref<640x32xf32, #tpu.memory_space<vmem>>
      %dma_wait3A_552 = arith.constant 0 : i32
      %dma_wait3A_553 = arith.constant 0 : i32
      %dma_wait3A_554 = tpu.memref_slice %arg3[%dma_wait3A_552, %dma_wait3A_553] : memref<1000000x32xf32, #tpu.memory_space<hbm>> -> memref<640x32xf32, #tpu.memory_space<hbm>>
      %dma_wait3A_555 = arith.constant 0 : i32
      %dma_wait3A_556 = arith.constant 0 : i32
      %dma_wait3A_557 = tpu.memref_slice %arg6[%dma_wait3A_547, %dma_wait3A_555, %dma_wait3A_556] : memref<3x640x32xf32, #tpu.memory_space<vmem>> -> memref<1x640x32xf32, #tpu.memory_space<vmem>>
      %dma_wait3A_558 = tpu.memref_squeeze %dma_wait3A_557 : memref<1x640x32xf32, #tpu.memory_space<vmem>> -> memref<640x32xf32, #tpu.memory_space<vmem>>
      %dma_wait3A_559 = arith.constant 0 : i32
      %dma_wait3A_560 = arith.constant 0 : i32
      %dma_wait3A_561 = tpu.memref_slice %arg3[%dma_wait3A_559, %dma_wait3A_560] : memref<1000000x32xf32, #tpu.memory_space<hbm>> -> memref<640x32xf32, #tpu.memory_space<hbm>>
      tpu.wait_dma2 semaphore(%arg7 : memref<!tpu.dma_semaphore, #tpu.memory_space<semaphore_mem>>) src(%dma_wait3A_561 : memref<640x32xf32, #tpu.memory_space<hbm>>) dst(%dma_wait3A_558 : memref<640x32xf32, #tpu.memory_space<vmem>>)
      %dma_wait3A_562 = arith.constant 2 : i32
      %dma_wait3A_563 = arith.constant 0 : i32
      %dma_wait3A_564 = arith.constant 0 : i32
      %dma_wait3A_565 = tpu.memref_slice %arg6[%dma_wait3A_562, %dma_wait3A_563, %dma_wait3A_564] : memref<3x640x32xf32, #tpu.memory_space<vmem>> -> memref<1x640x32xf32, #tpu.memory_space<vmem>>
      %dma_wait3A_566 = tpu.memref_squeeze %dma_wait3A_565 : memref<1x640x32xf32, #tpu.memory_space<vmem>> -> memref<640x32xf32, #tpu.memory_space<vmem>>
      %dma_wait3A_567 = arith.constant 0 : i32
      %dma_wait3A_568 = tpu.memref_slice %arg4[%mul3A_2, %dma_wait3A_567] : memref<819200x32xf32, #tpu.memory_space<hbm>> -> memref<640x32xf32, #tpu.memory_space<hbm>>
      %dma_wait3A_569 = arith.constant 0 : i32
      %dma_wait3A_570 = tpu.memref_slice %arg4[%mul3A_2, %dma_wait3A_569] : memref<819200x32xf32, #tpu.memory_space<hbm>> -> memref<640x32xf32, #tpu.memory_space<hbm>>
      %dma_wait3A_571 = arith.constant 0 : i32
      %dma_wait3A_572 = arith.constant 0 : i32
      %dma_wait3A_573 = tpu.memref_slice %arg6[%dma_wait3A_562, %dma_wait3A_571, %dma_wait3A_572] : memref<3x640x32xf32, #tpu.memory_space<vmem>> -> memref<1x640x32xf32, #tpu.memory_space<vmem>>
      %dma_wait3A_574 = tpu.memref_squeeze %dma_wait3A_573 : memref<1x640x32xf32, #tpu.memory_space<vmem>> -> memref<640x32xf32, #tpu.memory_space<vmem>>
      tpu.wait_dma2 semaphore(%arg12 : memref<!tpu.dma_semaphore, #tpu.memory_space<semaphore_mem>>) src(%dma_wait3A_574 : memref<640x32xf32, #tpu.memory_space<vmem>>) dst(%dma_wait3A_570 : memref<640x32xf32, #tpu.memory_space<hbm>>)
      %add3A_575 = arith.constant 2 : i32
      %add3A_576 = arith.addi %add3A_546, %add3A_575 : i32
      %mul3A_577 = arith.constant 5 : i32
      %mul3A_578 = arith.muli %add3A_576, %mul3A_577 : i32
      %add3A_579 = arith.constant 0 : i32
      %add3A_580 = arith.addi %mul3A_578, %add3A_579 : i32
      %dma_start3A_581 = arith.constant 2 : i32
      %dma_start3A_582 = arith.constant 0 : i32
      %dma_start3A_583 = arith.constant 0 : i32
      %dma_start3A_584 = tpu.memref_slice %arg6[%dma_start3A_581, %dma_start3A_582, %dma_start3A_583] : memref<3x640x32xf32, #tpu.memory_space<vmem>> -> memref<1x128x32xf32, #tpu.memory_space<vmem>>
      %dma_start3A_585 = tpu.memref_squeeze %dma_start3A_584 : memref<1x128x32xf32, #tpu.memory_space<vmem>> -> memref<128x32xf32, #tpu.memory_space<vmem>>
      %dma_start3A_586 = arith.constant 0 : i32
      %dma_start3A_587 = tpu.memref_slice %arg5[%add3A_580, %dma_start3A_586] : memref<200x128xi32, #tpu.memory_space<vmem>> -> memref<1x128xi32, #tpu.memory_space<vmem>>
      %dma_start3A_588 = tpu.memref_squeeze %dma_start3A_587 : memref<1x128xi32, #tpu.memory_space<vmem>> -> memref<128xi32, #tpu.memory_space<vmem>>
      %dma_start3A_589 = arith.constant 0 : i32
      %dma_start3A_590 = arith.constant 0 : i32
      %dma_start3A_591 = tpu.memref_slice %arg3[%dma_start3A_589, %dma_start3A_590] : memref<1000000x32xf32, #tpu.memory_space<hbm>> -> memref<1000000x32xf32, #tpu.memory_space<hbm>>
      tpu.enqueue_indirect_dma source(%dma_start3A_591 : memref<1000000x32xf32, #tpu.memory_space<hbm>>) target(%dma_start3A_585 : memref<128x32xf32, #tpu.memory_space<vmem>>) offsets(%dma_start3A_588 : memref<128xi32, #tpu.memory_space<vmem>>) semaphore(%arg9 : memref<!tpu.dma_semaphore, #tpu.memory_space<semaphore_mem>>)
      %mul3A_592 = arith.constant 5 : i32
      %mul3A_593 = arith.muli %add3A_576, %mul3A_592 : i32
      %add3A_594 = arith.constant 1 : i32
      %add3A_595 = arith.addi %mul3A_593, %add3A_594 : i32
      %dma_start3A_596 = arith.constant 2 : i32
      %dma_start3A_597 = arith.constant 128 : i32
      %dma_start3A_598 = arith.constant 0 : i32
      %dma_start3A_599 = tpu.memref_slice %arg6[%dma_start3A_596, %dma_start3A_597, %dma_start3A_598] : memref<3x640x32xf32, #tpu.memory_space<vmem>> -> memref<1x128x32xf32, #tpu.memory_space<vmem>>
      %dma_start3A_600 = tpu.memref_squeeze %dma_start3A_599 : memref<1x128x32xf32, #tpu.memory_space<vmem>> -> memref<128x32xf32, #tpu.memory_space<vmem>>
      %dma_start3A_601 = arith.constant 0 : i32
      %dma_start3A_602 = tpu.memref_slice %arg5[%add3A_595, %dma_start3A_601] : memref<200x128xi32, #tpu.memory_space<vmem>> -> memref<1x128xi32, #tpu.memory_space<vmem>>
      %dma_start3A_603 = tpu.memref_squeeze %dma_start3A_602 : memref<1x128xi32, #tpu.memory_space<vmem>> -> memref<128xi32, #tpu.memory_space<vmem>>
      %dma_start3A_604 = arith.constant 0 : i32
      %dma_start3A_605 = arith.constant 0 : i32
      %dma_start3A_606 = tpu.memref_slice %arg3[%dma_start3A_604, %dma_start3A_605] : memref<1000000x32xf32, #tpu.memory_space<hbm>> -> memref<1000000x32xf32, #tpu.memory_space<hbm>>
      tpu.enqueue_indirect_dma source(%dma_start3A_606 : memref<1000000x32xf32, #tpu.memory_space<hbm>>) target(%dma_start3A_600 : memref<128x32xf32, #tpu.memory_space<vmem>>) offsets(%dma_start3A_603 : memref<128xi32, #tpu.memory_space<vmem>>) semaphore(%arg9 : memref<!tpu.dma_semaphore, #tpu.memory_space<semaphore_mem>>)
      %mul3A_607 = arith.constant 5 : i32
      %mul3A_608 = arith.muli %add3A_576, %mul3A_607 : i32
      %add3A_609 = arith.constant 2 : i32
      %add3A_610 = arith.addi %mul3A_608, %add3A_609 : i32
      %dma_start3A_611 = arith.constant 2 : i32
      %dma_start3A_612 = arith.constant 256 : i32
      %dma_start3A_613 = arith.constant 0 : i32
      %dma_start3A_614 = tpu.memref_slice %arg6[%dma_start3A_611, %dma_start3A_612, %dma_start3A_613] : memref<3x640x32xf32, #tpu.memory_space<vmem>> -> memref<1x128x32xf32, #tpu.memory_space<vmem>>
      %dma_start3A_615 = tpu.memref_squeeze %dma_start3A_614 : memref<1x128x32xf32, #tpu.memory_space<vmem>> -> memref<128x32xf32, #tpu.memory_space<vmem>>
      %dma_start3A_616 = arith.constant 0 : i32
      %dma_start3A_617 = tpu.memref_slice %arg5[%add3A_610, %dma_start3A_616] : memref<200x128xi32, #tpu.memory_space<vmem>> -> memref<1x128xi32, #tpu.memory_space<vmem>>
      %dma_start3A_618 = tpu.memref_squeeze %dma_start3A_617 : memref<1x128xi32, #tpu.memory_space<vmem>> -> memref<128xi32, #tpu.memory_space<vmem>>
      %dma_start3A_619 = arith.constant 0 : i32
      %dma_start3A_620 = arith.constant 0 : i32
      %dma_start3A_621 = tpu.memref_slice %arg3[%dma_start3A_619, %dma_start3A_620] : memref<1000000x32xf32, #tpu.memory_space<hbm>> -> memref<1000000x32xf32, #tpu.memory_space<hbm>>
      tpu.enqueue_indirect_dma source(%dma_start3A_621 : memref<1000000x32xf32, #tpu.memory_space<hbm>>) target(%dma_start3A_615 : memref<128x32xf32, #tpu.memory_space<vmem>>) offsets(%dma_start3A_618 : memref<128xi32, #tpu.memory_space<vmem>>) semaphore(%arg9 : memref<!tpu.dma_semaphore, #tpu.memory_space<semaphore_mem>>)
      %mul3A_622 = arith.constant 5 : i32
      %mul3A_623 = arith.muli %add3A_576, %mul3A_622 : i32
      %add3A_624 = arith.constant 3 : i32
      %add3A_625 = arith.addi %mul3A_623, %add3A_624 : i32
      %dma_start3A_626 = arith.constant 2 : i32
      %dma_start3A_627 = arith.constant 384 : i32
      %dma_start3A_628 = arith.constant 0 : i32
      %dma_start3A_629 = tpu.memref_slice %arg6[%dma_start3A_626, %dma_start3A_627, %dma_start3A_628] : memref<3x640x32xf32, #tpu.memory_space<vmem>> -> memref<1x128x32xf32, #tpu.memory_space<vmem>>
      %dma_start3A_630 = tpu.memref_squeeze %dma_start3A_629 : memref<1x128x32xf32, #tpu.memory_space<vmem>> -> memref<128x32xf32, #tpu.memory_space<vmem>>
      %dma_start3A_631 = arith.constant 0 : i32
      %dma_start3A_632 = tpu.memref_slice %arg5[%add3A_625, %dma_start3A_631] : memref<200x128xi32, #tpu.memory_space<vmem>> -> memref<1x128xi32, #tpu.memory_space<vmem>>
      %dma_start3A_633 = tpu.memref_squeeze %dma_start3A_632 : memref<1x128xi32, #tpu.memory_space<vmem>> -> memref<128xi32, #tpu.memory_space<vmem>>
      %dma_start3A_634 = arith.constant 0 : i32
      %dma_start3A_635 = arith.constant 0 : i32
      %dma_start3A_636 = tpu.memref_slice %arg3[%dma_start3A_634, %dma_start3A_635] : memref<1000000x32xf32, #tpu.memory_space<hbm>> -> memref<1000000x32xf32, #tpu.memory_space<hbm>>
      tpu.enqueue_indirect_dma source(%dma_start3A_636 : memref<1000000x32xf32, #tpu.memory_space<hbm>>) target(%dma_start3A_630 : memref<128x32xf32, #tpu.memory_space<vmem>>) offsets(%dma_start3A_633 : memref<128xi32, #tpu.memory_space<vmem>>) semaphore(%arg9 : memref<!tpu.dma_semaphore, #tpu.memory_space<semaphore_mem>>)
      %mul3A_637 = arith.constant 5 : i32
      %mul3A_638 = arith.muli %add3A_576, %mul3A_637 : i32
      %add3A_639 = arith.constant 4 : i32
      %add3A_640 = arith.addi %mul3A_638, %add3A_639 : i32
      %dma_start3A_641 = arith.constant 2 : i32
      %dma_start3A_642 = arith.constant 512 : i32
      %dma_start3A_643 = arith.constant 0 : i32
      %dma_start3A_644 = tpu.memref_slice %arg6[%dma_start3A_641, %dma_start3A_642, %dma_start3A_643] : memref<3x640x32xf32, #tpu.memory_space<vmem>> -> memref<1x128x32xf32, #tpu.memory_space<vmem>>
      %dma_start3A_645 = tpu.memref_squeeze %dma_start3A_644 : memref<1x128x32xf32, #tpu.memory_space<vmem>> -> memref<128x32xf32, #tpu.memory_space<vmem>>
      %dma_start3A_646 = arith.constant 0 : i32
      %dma_start3A_647 = tpu.memref_slice %arg5[%add3A_640, %dma_start3A_646] : memref<200x128xi32, #tpu.memory_space<vmem>> -> memref<1x128xi32, #tpu.memory_space<vmem>>
      %dma_start3A_648 = tpu.memref_squeeze %dma_start3A_647 : memref<1x128xi32, #tpu.memory_space<vmem>> -> memref<128xi32, #tpu.memory_space<vmem>>
      %dma_start3A_649 = arith.constant 0 : i32
      %dma_start3A_650 = arith.constant 0 : i32
      %dma_start3A_651 = tpu.memref_slice %arg3[%dma_start3A_649, %dma_start3A_650] : memref<1000000x32xf32, #tpu.memory_space<hbm>> -> memref<1000000x32xf32, #tpu.memory_space<hbm>>
      tpu.enqueue_indirect_dma source(%dma_start3A_651 : memref<1000000x32xf32, #tpu.memory_space<hbm>>) target(%dma_start3A_645 : memref<128x32xf32, #tpu.memory_space<vmem>>) offsets(%dma_start3A_648 : memref<128xi32, #tpu.memory_space<vmem>>) semaphore(%arg9 : memref<!tpu.dma_semaphore, #tpu.memory_space<semaphore_mem>>)
      %mul3A_652 = arith.constant 640 : i32
      %mul3A_653 = arith.muli %add3A_546, %mul3A_652 : i32
      %add3A_654 = arith.addi %mul3A_2, %mul3A_653 : i32
      %dma_start3A_655 = arith.constant 0 : i32
      %dma_start3A_656 = arith.constant 0 : i32
      %dma_start3A_657 = arith.constant 0 : i32
      %dma_start3A_658 = tpu.memref_slice %arg6[%dma_start3A_655, %dma_start3A_656, %dma_start3A_657] : memref<3x640x32xf32, #tpu.memory_space<vmem>> -> memref<1x640x32xf32, #tpu.memory_space<vmem>>
      %dma_start3A_659 = tpu.memref_squeeze %dma_start3A_658 : memref<1x640x32xf32, #tpu.memory_space<vmem>> -> memref<640x32xf32, #tpu.memory_space<vmem>>
      %dma_start3A_660 = arith.constant 0 : i32
      %dma_start3A_661 = tpu.memref_slice %arg4[%add3A_654, %dma_start3A_660] : memref<819200x32xf32, #tpu.memory_space<hbm>> -> memref<640x32xf32, #tpu.memory_space<hbm>>
      %dma_start3A_662 = arith.constant 0 : i32
      %dma_start3A_663 = tpu.memref_slice %arg4[%add3A_654, %dma_start3A_662] : memref<819200x32xf32, #tpu.memory_space<hbm>> -> memref<640x32xf32, #tpu.memory_space<hbm>>
      %dma_start3A_664 = arith.constant 0 : i32
      %dma_start3A_665 = arith.constant 0 : i32
      %dma_start3A_666 = tpu.memref_slice %arg6[%dma_start3A_655, %dma_start3A_664, %dma_start3A_665] : memref<3x640x32xf32, #tpu.memory_space<vmem>> -> memref<1x640x32xf32, #tpu.memory_space<vmem>>
      %dma_start3A_667 = tpu.memref_squeeze %dma_start3A_666 : memref<1x640x32xf32, #tpu.memory_space<vmem>> -> memref<640x32xf32, #tpu.memory_space<vmem>>
      tpu.enqueue_dma source(%dma_start3A_667 : memref<640x32xf32, #tpu.memory_space<vmem>>) target(%dma_start3A_663 : memref<640x32xf32, #tpu.memory_space<hbm>>) target_semaphore(%arg10 : memref<!tpu.dma_semaphore, #tpu.memory_space<semaphore_mem>>)
      %add3A_668 = arith.constant 2 : i32
      %add3A_669 = arith.addi %add3A_421, %add3A_668 : i32
      %dma_wait3A_670 = arith.constant 1 : i32
      %dma_wait3A_671 = arith.constant 0 : i32
      %dma_wait3A_672 = arith.constant 0 : i32
      %dma_wait3A_673 = tpu.memref_slice %arg6[%dma_wait3A_670, %dma_wait3A_671, %dma_wait3A_672] : memref<3x640x32xf32, #tpu.memory_space<vmem>> -> memref<1x640x32xf32, #tpu.memory_space<vmem>>
      %dma_wait3A_674 = tpu.memref_squeeze %dma_wait3A_673 : memref<1x640x32xf32, #tpu.memory_space<vmem>> -> memref<640x32xf32, #tpu.memory_space<vmem>>
      %dma_wait3A_675 = arith.constant 0 : i32
      %dma_wait3A_676 = arith.constant 0 : i32
      %dma_wait3A_677 = tpu.memref_slice %arg3[%dma_wait3A_675, %dma_wait3A_676] : memref<1000000x32xf32, #tpu.memory_space<hbm>> -> memref<640x32xf32, #tpu.memory_space<hbm>>
      %dma_wait3A_678 = arith.constant 0 : i32
      %dma_wait3A_679 = arith.constant 0 : i32
      %dma_wait3A_680 = tpu.memref_slice %arg6[%dma_wait3A_670, %dma_wait3A_678, %dma_wait3A_679] : memref<3x640x32xf32, #tpu.memory_space<vmem>> -> memref<1x640x32xf32, #tpu.memory_space<vmem>>
      %dma_wait3A_681 = tpu.memref_squeeze %dma_wait3A_680 : memref<1x640x32xf32, #tpu.memory_space<vmem>> -> memref<640x32xf32, #tpu.memory_space<vmem>>
      %dma_wait3A_682 = arith.constant 0 : i32
      %dma_wait3A_683 = arith.constant 0 : i32
      %dma_wait3A_684 = tpu.memref_slice %arg3[%dma_wait3A_682, %dma_wait3A_683] : memref<1000000x32xf32, #tpu.memory_space<hbm>> -> memref<640x32xf32, #tpu.memory_space<hbm>>
      tpu.wait_dma2 semaphore(%arg8 : memref<!tpu.dma_semaphore, #tpu.memory_space<semaphore_mem>>) src(%dma_wait3A_684 : memref<640x32xf32, #tpu.memory_space<hbm>>) dst(%dma_wait3A_681 : memref<640x32xf32, #tpu.memory_space<vmem>>)
      %dma_wait3A_685 = arith.constant 0 : i32
      %dma_wait3A_686 = arith.constant 0 : i32
      %dma_wait3A_687 = arith.constant 0 : i32
      %dma_wait3A_688 = tpu.memref_slice %arg6[%dma_wait3A_685, %dma_wait3A_686, %dma_wait3A_687] : memref<3x640x32xf32, #tpu.memory_space<vmem>> -> memref<1x640x32xf32, #tpu.memory_space<vmem>>
      %dma_wait3A_689 = tpu.memref_squeeze %dma_wait3A_688 : memref<1x640x32xf32, #tpu.memory_space<vmem>> -> memref<640x32xf32, #tpu.memory_space<vmem>>
      %dma_wait3A_690 = arith.constant 0 : i32
      %dma_wait3A_691 = tpu.memref_slice %arg4[%mul3A_2, %dma_wait3A_690] : memref<819200x32xf32, #tpu.memory_space<hbm>> -> memref<640x32xf32, #tpu.memory_space<hbm>>
      %dma_wait3A_692 = arith.constant 0 : i32
      %dma_wait3A_693 = tpu.memref_slice %arg4[%mul3A_2, %dma_wait3A_692] : memref<819200x32xf32, #tpu.memory_space<hbm>> -> memref<640x32xf32, #tpu.memory_space<hbm>>
      %dma_wait3A_694 = arith.constant 0 : i32
      %dma_wait3A_695 = arith.constant 0 : i32
      %dma_wait3A_696 = tpu.memref_slice %arg6[%dma_wait3A_685, %dma_wait3A_694, %dma_wait3A_695] : memref<3x640x32xf32, #tpu.memory_space<vmem>> -> memref<1x640x32xf32, #tpu.memory_space<vmem>>
      %dma_wait3A_697 = tpu.memref_squeeze %dma_wait3A_696 : memref<1x640x32xf32, #tpu.memory_space<vmem>> -> memref<640x32xf32, #tpu.memory_space<vmem>>
      tpu.wait_dma2 semaphore(%arg10 : memref<!tpu.dma_semaphore, #tpu.memory_space<semaphore_mem>>) src(%dma_wait3A_697 : memref<640x32xf32, #tpu.memory_space<vmem>>) dst(%dma_wait3A_693 : memref<640x32xf32, #tpu.memory_space<hbm>>)
      %add3A_698 = arith.constant 2 : i32
      %add3A_699 = arith.addi %add3A_669, %add3A_698 : i32
      %mul3A_700 = arith.constant 5 : i32
      %mul3A_701 = arith.muli %add3A_699, %mul3A_700 : i32
      %add3A_702 = arith.constant 0 : i32
      %add3A_703 = arith.addi %mul3A_701, %add3A_702 : i32
      %dma_start3A_704 = arith.constant 0 : i32
      %dma_start3A_705 = arith.constant 0 : i32
      %dma_start3A_706 = arith.constant 0 : i32
      %dma_start3A_707 = tpu.memref_slice %arg6[%dma_start3A_704, %dma_start3A_705, %dma_start3A_706] : memref<3x640x32xf32, #tpu.memory_space<vmem>> -> memref<1x128x32xf32, #tpu.memory_space<vmem>>
      %dma_start3A_708 = tpu.memref_squeeze %dma_start3A_707 : memref<1x128x32xf32, #tpu.memory_space<vmem>> -> memref<128x32xf32, #tpu.memory_space<vmem>>
      %dma_start3A_709 = arith.constant 0 : i32
      %dma_start3A_710 = tpu.memref_slice %arg5[%add3A_703, %dma_start3A_709] : memref<200x128xi32, #tpu.memory_space<vmem>> -> memref<1x128xi32, #tpu.memory_space<vmem>>
      %dma_start3A_711 = tpu.memref_squeeze %dma_start3A_710 : memref<1x128xi32, #tpu.memory_space<vmem>> -> memref<128xi32, #tpu.memory_space<vmem>>
      %dma_start3A_712 = arith.constant 0 : i32
      %dma_start3A_713 = arith.constant 0 : i32
      %dma_start3A_714 = tpu.memref_slice %arg3[%dma_start3A_712, %dma_start3A_713] : memref<1000000x32xf32, #tpu.memory_space<hbm>> -> memref<1000000x32xf32, #tpu.memory_space<hbm>>
      tpu.enqueue_indirect_dma source(%dma_start3A_714 : memref<1000000x32xf32, #tpu.memory_space<hbm>>) target(%dma_start3A_708 : memref<128x32xf32, #tpu.memory_space<vmem>>) offsets(%dma_start3A_711 : memref<128xi32, #tpu.memory_space<vmem>>) semaphore(%arg7 : memref<!tpu.dma_semaphore, #tpu.memory_space<semaphore_mem>>)
      %mul3A_715 = arith.constant 5 : i32
      %mul3A_716 = arith.muli %add3A_699, %mul3A_715 : i32
      %add3A_717 = arith.constant 1 : i32
      %add3A_718 = arith.addi %mul3A_716, %add3A_717 : i32
      %dma_start3A_719 = arith.constant 0 : i32
      %dma_start3A_720 = arith.constant 128 : i32
      %dma_start3A_721 = arith.constant 0 : i32
      %dma_start3A_722 = tpu.memref_slice %arg6[%dma_start3A_719, %dma_start3A_720, %dma_start3A_721] : memref<3x640x32xf32, #tpu.memory_space<vmem>> -> memref<1x128x32xf32, #tpu.memory_space<vmem>>
      %dma_start3A_723 = tpu.memref_squeeze %dma_start3A_722 : memref<1x128x32xf32, #tpu.memory_space<vmem>> -> memref<128x32xf32, #tpu.memory_space<vmem>>
      %dma_start3A_724 = arith.constant 0 : i32
      %dma_start3A_725 = tpu.memref_slice %arg5[%add3A_718, %dma_start3A_724] : memref<200x128xi32, #tpu.memory_space<vmem>> -> memref<1x128xi32, #tpu.memory_space<vmem>>
      %dma_start3A_726 = tpu.memref_squeeze %dma_start3A_725 : memref<1x128xi32, #tpu.memory_space<vmem>> -> memref<128xi32, #tpu.memory_space<vmem>>
      %dma_start3A_727 = arith.constant 0 : i32
      %dma_start3A_728 = arith.constant 0 : i32
      %dma_start3A_729 = tpu.memref_slice %arg3[%dma_start3A_727, %dma_start3A_728] : memref<1000000x32xf32, #tpu.memory_space<hbm>> -> memref<1000000x32xf32, #tpu.memory_space<hbm>>
      tpu.enqueue_indirect_dma source(%dma_start3A_729 : memref<1000000x32xf32, #tpu.memory_space<hbm>>) target(%dma_start3A_723 : memref<128x32xf32, #tpu.memory_space<vmem>>) offsets(%dma_start3A_726 : memref<128xi32, #tpu.memory_space<vmem>>) semaphore(%arg7 : memref<!tpu.dma_semaphore, #tpu.memory_space<semaphore_mem>>)
      %mul3A_730 = arith.constant 5 : i32
      %mul3A_731 = arith.muli %add3A_699, %mul3A_730 : i32
      %add3A_732 = arith.constant 2 : i32
      %add3A_733 = arith.addi %mul3A_731, %add3A_732 : i32
      %dma_start3A_734 = arith.constant 0 : i32
      %dma_start3A_735 = arith.constant 256 : i32
      %dma_start3A_736 = arith.constant 0 : i32
      %dma_start3A_737 = tpu.memref_slice %arg6[%dma_start3A_734, %dma_start3A_735, %dma_start3A_736] : memref<3x640x32xf32, #tpu.memory_space<vmem>> -> memref<1x128x32xf32, #tpu.memory_space<vmem>>
      %dma_start3A_738 = tpu.memref_squeeze %dma_start3A_737 : memref<1x128x32xf32, #tpu.memory_space<vmem>> -> memref<128x32xf32, #tpu.memory_space<vmem>>
      %dma_start3A_739 = arith.constant 0 : i32
      %dma_start3A_740 = tpu.memref_slice %arg5[%add3A_733, %dma_start3A_739] : memref<200x128xi32, #tpu.memory_space<vmem>> -> memref<1x128xi32, #tpu.memory_space<vmem>>
      %dma_start3A_741 = tpu.memref_squeeze %dma_start3A_740 : memref<1x128xi32, #tpu.memory_space<vmem>> -> memref<128xi32, #tpu.memory_space<vmem>>
      %dma_start3A_742 = arith.constant 0 : i32
      %dma_start3A_743 = arith.constant 0 : i32
      %dma_start3A_744 = tpu.memref_slice %arg3[%dma_start3A_742, %dma_start3A_743] : memref<1000000x32xf32, #tpu.memory_space<hbm>> -> memref<1000000x32xf32, #tpu.memory_space<hbm>>
      tpu.enqueue_indirect_dma source(%dma_start3A_744 : memref<1000000x32xf32, #tpu.memory_space<hbm>>) target(%dma_start3A_738 : memref<128x32xf32, #tpu.memory_space<vmem>>) offsets(%dma_start3A_741 : memref<128xi32, #tpu.memory_space<vmem>>) semaphore(%arg7 : memref<!tpu.dma_semaphore, #tpu.memory_space<semaphore_mem>>)
      %mul3A_745 = arith.constant 5 : i32
      %mul3A_746 = arith.muli %add3A_699, %mul3A_745 : i32
      %add3A_747 = arith.constant 3 : i32
      %add3A_748 = arith.addi %mul3A_746, %add3A_747 : i32
      %dma_start3A_749 = arith.constant 0 : i32
      %dma_start3A_750 = arith.constant 384 : i32
      %dma_start3A_751 = arith.constant 0 : i32
      %dma_start3A_752 = tpu.memref_slice %arg6[%dma_start3A_749, %dma_start3A_750, %dma_start3A_751] : memref<3x640x32xf32, #tpu.memory_space<vmem>> -> memref<1x128x32xf32, #tpu.memory_space<vmem>>
      %dma_start3A_753 = tpu.memref_squeeze %dma_start3A_752 : memref<1x128x32xf32, #tpu.memory_space<vmem>> -> memref<128x32xf32, #tpu.memory_space<vmem>>
      %dma_start3A_754 = arith.constant 0 : i32
      %dma_start3A_755 = tpu.memref_slice %arg5[%add3A_748, %dma_start3A_754] : memref<200x128xi32, #tpu.memory_space<vmem>> -> memref<1x128xi32, #tpu.memory_space<vmem>>
      %dma_start3A_756 = tpu.memref_squeeze %dma_start3A_755 : memref<1x128xi32, #tpu.memory_space<vmem>> -> memref<128xi32, #tpu.memory_space<vmem>>
      %dma_start3A_757 = arith.constant 0 : i32
      %dma_start3A_758 = arith.constant 0 : i32
      %dma_start3A_759 = tpu.memref_slice %arg3[%dma_start3A_757, %dma_start3A_758] : memref<1000000x32xf32, #tpu.memory_space<hbm>> -> memref<1000000x32xf32, #tpu.memory_space<hbm>>
      tpu.enqueue_indirect_dma source(%dma_start3A_759 : memref<1000000x32xf32, #tpu.memory_space<hbm>>) target(%dma_start3A_753 : memref<128x32xf32, #tpu.memory_space<vmem>>) offsets(%dma_start3A_756 : memref<128xi32, #tpu.memory_space<vmem>>) semaphore(%arg7 : memref<!tpu.dma_semaphore, #tpu.memory_space<semaphore_mem>>)
      %mul3A_760 = arith.constant 5 : i32
      %mul3A_761 = arith.muli %add3A_699, %mul3A_760 : i32
      %add3A_762 = arith.constant 4 : i32
      %add3A_763 = arith.addi %mul3A_761, %add3A_762 : i32
      %dma_start3A_764 = arith.constant 0 : i32
      %dma_start3A_765 = arith.constant 512 : i32
      %dma_start3A_766 = arith.constant 0 : i32
      %dma_start3A_767 = tpu.memref_slice %arg6[%dma_start3A_764, %dma_start3A_765, %dma_start3A_766] : memref<3x640x32xf32, #tpu.memory_space<vmem>> -> memref<1x128x32xf32, #tpu.memory_space<vmem>>
      %dma_start3A_768 = tpu.memref_squeeze %dma_start3A_767 : memref<1x128x32xf32, #tpu.memory_space<vmem>> -> memref<128x32xf32, #tpu.memory_space<vmem>>
      %dma_start3A_769 = arith.constant 0 : i32
      %dma_start3A_770 = tpu.memref_slice %arg5[%add3A_763, %dma_start3A_769] : memref<200x128xi32, #tpu.memory_space<vmem>> -> memref<1x128xi32, #tpu.memory_space<vmem>>
      %dma_start3A_771 = tpu.memref_squeeze %dma_start3A_770 : memref<1x128xi32, #tpu.memory_space<vmem>> -> memref<128xi32, #tpu.memory_space<vmem>>
      %dma_start3A_772 = arith.constant 0 : i32
      %dma_start3A_773 = arith.constant 0 : i32
      %dma_start3A_774 = tpu.memref_slice %arg3[%dma_start3A_772, %dma_start3A_773] : memref<1000000x32xf32, #tpu.memory_space<hbm>> -> memref<1000000x32xf32, #tpu.memory_space<hbm>>
      tpu.enqueue_indirect_dma source(%dma_start3A_774 : memref<1000000x32xf32, #tpu.memory_space<hbm>>) target(%dma_start3A_768 : memref<128x32xf32, #tpu.memory_space<vmem>>) offsets(%dma_start3A_771 : memref<128xi32, #tpu.memory_space<vmem>>) semaphore(%arg7 : memref<!tpu.dma_semaphore, #tpu.memory_space<semaphore_mem>>)
      %mul3A_775 = arith.constant 640 : i32
      %mul3A_776 = arith.muli %add3A_669, %mul3A_775 : i32
      %add3A_777 = arith.addi %mul3A_2, %mul3A_776 : i32
      %dma_start3A_778 = arith.constant 1 : i32
      %dma_start3A_779 = arith.constant 0 : i32
      %dma_start3A_780 = arith.constant 0 : i32
      %dma_start3A_781 = tpu.memref_slice %arg6[%dma_start3A_778, %dma_start3A_779, %dma_start3A_780] : memref<3x640x32xf32, #tpu.memory_space<vmem>> -> memref<1x640x32xf32, #tpu.memory_space<vmem>>
      %dma_start3A_782 = tpu.memref_squeeze %dma_start3A_781 : memref<1x640x32xf32, #tpu.memory_space<vmem>> -> memref<640x32xf32, #tpu.memory_space<vmem>>
      %dma_start3A_783 = arith.constant 0 : i32
      %dma_start3A_784 = tpu.memref_slice %arg4[%add3A_777, %dma_start3A_783] : memref<819200x32xf32, #tpu.memory_space<hbm>> -> memref<640x32xf32, #tpu.memory_space<hbm>>
      %dma_start3A_785 = arith.constant 0 : i32
      %dma_start3A_786 = tpu.memref_slice %arg4[%add3A_777, %dma_start3A_785] : memref<819200x32xf32, #tpu.memory_space<hbm>> -> memref<640x32xf32, #tpu.memory_space<hbm>>
      %dma_start3A_787 = arith.constant 0 : i32
      %dma_start3A_788 = arith.constant 0 : i32
      %dma_start3A_789 = tpu.memref_slice %arg6[%dma_start3A_778, %dma_start3A_787, %dma_start3A_788] : memref<3x640x32xf32, #tpu.memory_space<vmem>> -> memref<1x640x32xf32, #tpu.memory_space<vmem>>
      %dma_start3A_790 = tpu.memref_squeeze %dma_start3A_789 : memref<1x640x32xf32, #tpu.memory_space<vmem>> -> memref<640x32xf32, #tpu.memory_space<vmem>>
      tpu.enqueue_dma source(%dma_start3A_790 : memref<640x32xf32, #tpu.memory_space<vmem>>) target(%dma_start3A_786 : memref<640x32xf32, #tpu.memory_space<hbm>>) target_semaphore(%arg11 : memref<!tpu.dma_semaphore, #tpu.memory_space<semaphore_mem>>)
    }
    %scan3A_317 = arith.constant 12 : i32
    %dma_wait3A_318 = arith.constant 2 : i32
    %dma_wait3A_319 = arith.constant 0 : i32
    %dma_wait3A_320 = arith.constant 0 : i32
    %dma_wait3A_321 = tpu.memref_slice %arg6[%dma_wait3A_318, %dma_wait3A_319, %dma_wait3A_320] : memref<3x640x32xf32, #tpu.memory_space<vmem>> -> memref<1x640x32xf32, #tpu.memory_space<vmem>>
    %dma_wait3A_322 = tpu.memref_squeeze %dma_wait3A_321 : memref<1x640x32xf32, #tpu.memory_space<vmem>> -> memref<640x32xf32, #tpu.memory_space<vmem>>
    %dma_wait3A_323 = arith.constant 0 : i32
    %dma_wait3A_324 = arith.constant 0 : i32
    %dma_wait3A_325 = tpu.memref_slice %arg3[%dma_wait3A_323, %dma_wait3A_324] : memref<1000000x32xf32, #tpu.memory_space<hbm>> -> memref<640x32xf32, #tpu.memory_space<hbm>>
    %dma_wait3A_326 = arith.constant 0 : i32
    %dma_wait3A_327 = arith.constant 0 : i32
    %dma_wait3A_328 = tpu.memref_slice %arg6[%dma_wait3A_318, %dma_wait3A_326, %dma_wait3A_327] : memref<3x640x32xf32, #tpu.memory_space<vmem>> -> memref<1x640x32xf32, #tpu.memory_space<vmem>>
    %dma_wait3A_329 = tpu.memref_squeeze %dma_wait3A_328 : memref<1x640x32xf32, #tpu.memory_space<vmem>> -> memref<640x32xf32, #tpu.memory_space<vmem>>
    %dma_wait3A_330 = arith.constant 0 : i32
    %dma_wait3A_331 = arith.constant 0 : i32
    %dma_wait3A_332 = tpu.memref_slice %arg3[%dma_wait3A_330, %dma_wait3A_331] : memref<1000000x32xf32, #tpu.memory_space<hbm>> -> memref<640x32xf32, #tpu.memory_space<hbm>>
    tpu.wait_dma2 semaphore(%arg9 : memref<!tpu.dma_semaphore, #tpu.memory_space<semaphore_mem>>) src(%dma_wait3A_332 : memref<640x32xf32, #tpu.memory_space<hbm>>) dst(%dma_wait3A_329 : memref<640x32xf32, #tpu.memory_space<vmem>>)
    %dma_wait3A_333 = arith.constant 1 : i32
    %dma_wait3A_334 = arith.constant 0 : i32
    %dma_wait3A_335 = arith.constant 0 : i32
    %dma_wait3A_336 = tpu.memref_slice %arg6[%dma_wait3A_333, %dma_wait3A_334, %dma_wait3A_335] : memref<3x640x32xf32, #tpu.memory_space<vmem>> -> memref<1x640x32xf32, #tpu.memory_space<vmem>>
    %dma_wait3A_337 = tpu.memref_squeeze %dma_wait3A_336 : memref<1x640x32xf32, #tpu.memory_space<vmem>> -> memref<640x32xf32, #tpu.memory_space<vmem>>
    %dma_wait3A_338 = arith.constant 0 : i32
    %dma_wait3A_339 = tpu.memref_slice %arg4[%mul3A_2, %dma_wait3A_338] : memref<819200x32xf32, #tpu.memory_space<hbm>> -> memref<640x32xf32, #tpu.memory_space<hbm>>
    %dma_wait3A_340 = arith.constant 0 : i32
    %dma_wait3A_341 = tpu.memref_slice %arg4[%mul3A_2, %dma_wait3A_340] : memref<819200x32xf32, #tpu.memory_space<hbm>> -> memref<640x32xf32, #tpu.memory_space<hbm>>
    %dma_wait3A_342 = arith.constant 0 : i32
    %dma_wait3A_343 = arith.constant 0 : i32
    %dma_wait3A_344 = tpu.memref_slice %arg6[%dma_wait3A_333, %dma_wait3A_342, %dma_wait3A_343] : memref<3x640x32xf32, #tpu.memory_space<vmem>> -> memref<1x640x32xf32, #tpu.memory_space<vmem>>
    %dma_wait3A_345 = tpu.memref_squeeze %dma_wait3A_344 : memref<1x640x32xf32, #tpu.memory_space<vmem>> -> memref<640x32xf32, #tpu.memory_space<vmem>>
    tpu.wait_dma2 semaphore(%arg11 : memref<!tpu.dma_semaphore, #tpu.memory_space<semaphore_mem>>) src(%dma_wait3A_345 : memref<640x32xf32, #tpu.memory_space<vmem>>) dst(%dma_wait3A_341 : memref<640x32xf32, #tpu.memory_space<hbm>>)
    %add3A_346 = arith.constant 24320 : i32
    %add3A_347 = arith.addi %mul3A_2, %add3A_346 : i32
    %dma_start3A_348 = arith.constant 2 : i32
    %dma_start3A_349 = arith.constant 0 : i32
    %dma_start3A_350 = arith.constant 0 : i32
    %dma_start3A_351 = tpu.memref_slice %arg6[%dma_start3A_348, %dma_start3A_349, %dma_start3A_350] : memref<3x640x32xf32, #tpu.memory_space<vmem>> -> memref<1x640x32xf32, #tpu.memory_space<vmem>>
    %dma_start3A_352 = tpu.memref_squeeze %dma_start3A_351 : memref<1x640x32xf32, #tpu.memory_space<vmem>> -> memref<640x32xf32, #tpu.memory_space<vmem>>
    %dma_start3A_353 = arith.constant 0 : i32
    %dma_start3A_354 = tpu.memref_slice %arg4[%add3A_347, %dma_start3A_353] : memref<819200x32xf32, #tpu.memory_space<hbm>> -> memref<640x32xf32, #tpu.memory_space<hbm>>
    %dma_start3A_355 = arith.constant 0 : i32
    %dma_start3A_356 = tpu.memref_slice %arg4[%add3A_347, %dma_start3A_355] : memref<819200x32xf32, #tpu.memory_space<hbm>> -> memref<640x32xf32, #tpu.memory_space<hbm>>
    %dma_start3A_357 = arith.constant 0 : i32
    %dma_start3A_358 = arith.constant 0 : i32
    %dma_start3A_359 = tpu.memref_slice %arg6[%dma_start3A_348, %dma_start3A_357, %dma_start3A_358] : memref<3x640x32xf32, #tpu.memory_space<vmem>> -> memref<1x640x32xf32, #tpu.memory_space<vmem>>
    %dma_start3A_360 = tpu.memref_squeeze %dma_start3A_359 : memref<1x640x32xf32, #tpu.memory_space<vmem>> -> memref<640x32xf32, #tpu.memory_space<vmem>>
    tpu.enqueue_dma source(%dma_start3A_360 : memref<640x32xf32, #tpu.memory_space<vmem>>) target(%dma_start3A_356 : memref<640x32xf32, #tpu.memory_space<hbm>>) target_semaphore(%arg12 : memref<!tpu.dma_semaphore, #tpu.memory_space<semaphore_mem>>)
    %dma_wait3A_361 = arith.constant 0 : i32
    %dma_wait3A_362 = arith.constant 0 : i32
    %dma_wait3A_363 = arith.constant 0 : i32
    %dma_wait3A_364 = tpu.memref_slice %arg6[%dma_wait3A_361, %dma_wait3A_362, %dma_wait3A_363] : memref<3x640x32xf32, #tpu.memory_space<vmem>> -> memref<1x640x32xf32, #tpu.memory_space<vmem>>
    %dma_wait3A_365 = tpu.memref_squeeze %dma_wait3A_364 : memref<1x640x32xf32, #tpu.memory_space<vmem>> -> memref<640x32xf32, #tpu.memory_space<vmem>>
    %dma_wait3A_366 = arith.constant 0 : i32
    %dma_wait3A_367 = arith.constant 0 : i32
    %dma_wait3A_368 = tpu.memref_slice %arg3[%dma_wait3A_366, %dma_wait3A_367] : memref<1000000x32xf32, #tpu.memory_space<hbm>> -> memref<640x32xf32, #tpu.memory_space<hbm>>
    %dma_wait3A_369 = arith.constant 0 : i32
    %dma_wait3A_370 = arith.constant 0 : i32
    %dma_wait3A_371 = tpu.memref_slice %arg6[%dma_wait3A_361, %dma_wait3A_369, %dma_wait3A_370] : memref<3x640x32xf32, #tpu.memory_space<vmem>> -> memref<1x640x32xf32, #tpu.memory_space<vmem>>
    %dma_wait3A_372 = tpu.memref_squeeze %dma_wait3A_371 : memref<1x640x32xf32, #tpu.memory_space<vmem>> -> memref<640x32xf32, #tpu.memory_space<vmem>>
    %dma_wait3A_373 = arith.constant 0 : i32
    %dma_wait3A_374 = arith.constant 0 : i32
    %dma_wait3A_375 = tpu.memref_slice %arg3[%dma_wait3A_373, %dma_wait3A_374] : memref<1000000x32xf32, #tpu.memory_space<hbm>> -> memref<640x32xf32, #tpu.memory_space<hbm>>
    tpu.wait_dma2 semaphore(%arg7 : memref<!tpu.dma_semaphore, #tpu.memory_space<semaphore_mem>>) src(%dma_wait3A_375 : memref<640x32xf32, #tpu.memory_space<hbm>>) dst(%dma_wait3A_372 : memref<640x32xf32, #tpu.memory_space<vmem>>)
    %dma_wait3A_376 = arith.constant 2 : i32
    %dma_wait3A_377 = arith.constant 0 : i32
    %dma_wait3A_378 = arith.constant 0 : i32
    %dma_wait3A_379 = tpu.memref_slice %arg6[%dma_wait3A_376, %dma_wait3A_377, %dma_wait3A_378] : memref<3x640x32xf32, #tpu.memory_space<vmem>> -> memref<1x640x32xf32, #tpu.memory_space<vmem>>
    %dma_wait3A_380 = tpu.memref_squeeze %dma_wait3A_379 : memref<1x640x32xf32, #tpu.memory_space<vmem>> -> memref<640x32xf32, #tpu.memory_space<vmem>>
    %dma_wait3A_381 = arith.constant 0 : i32
    %dma_wait3A_382 = tpu.memref_slice %arg4[%mul3A_2, %dma_wait3A_381] : memref<819200x32xf32, #tpu.memory_space<hbm>> -> memref<640x32xf32, #tpu.memory_space<hbm>>
    %dma_wait3A_383 = arith.constant 0 : i32
    %dma_wait3A_384 = tpu.memref_slice %arg4[%mul3A_2, %dma_wait3A_383] : memref<819200x32xf32, #tpu.memory_space<hbm>> -> memref<640x32xf32, #tpu.memory_space<hbm>>
    %dma_wait3A_385 = arith.constant 0 : i32
    %dma_wait3A_386 = arith.constant 0 : i32
    %dma_wait3A_387 = tpu.memref_slice %arg6[%dma_wait3A_376, %dma_wait3A_385, %dma_wait3A_386] : memref<3x640x32xf32, #tpu.memory_space<vmem>> -> memref<1x640x32xf32, #tpu.memory_space<vmem>>
    %dma_wait3A_388 = tpu.memref_squeeze %dma_wait3A_387 : memref<1x640x32xf32, #tpu.memory_space<vmem>> -> memref<640x32xf32, #tpu.memory_space<vmem>>
    tpu.wait_dma2 semaphore(%arg12 : memref<!tpu.dma_semaphore, #tpu.memory_space<semaphore_mem>>) src(%dma_wait3A_388 : memref<640x32xf32, #tpu.memory_space<vmem>>) dst(%dma_wait3A_384 : memref<640x32xf32, #tpu.memory_space<hbm>>)
    %add3A_389 = arith.constant 24960 : i32
    %add3A_390 = arith.addi %mul3A_2, %add3A_389 : i32
    %dma_start3A_391 = arith.constant 0 : i32
    %dma_start3A_392 = arith.constant 0 : i32
    %dma_start3A_393 = arith.constant 0 : i32
    %dma_start3A_394 = tpu.memref_slice %arg6[%dma_start3A_391, %dma_start3A_392, %dma_start3A_393] : memref<3x640x32xf32, #tpu.memory_space<vmem>> -> memref<1x640x32xf32, #tpu.memory_space<vmem>>
    %dma_start3A_395 = tpu.memref_squeeze %dma_start3A_394 : memref<1x640x32xf32, #tpu.memory_space<vmem>> -> memref<640x32xf32, #tpu.memory_space<vmem>>
    %dma_start3A_396 = arith.constant 0 : i32
    %dma_start3A_397 = tpu.memref_slice %arg4[%add3A_390, %dma_start3A_396] : memref<819200x32xf32, #tpu.memory_space<hbm>> -> memref<640x32xf32, #tpu.memory_space<hbm>>
    %dma_start3A_398 = arith.constant 0 : i32
    %dma_start3A_399 = tpu.memref_slice %arg4[%add3A_390, %dma_start3A_398] : memref<819200x32xf32, #tpu.memory_space<hbm>> -> memref<640x32xf32, #tpu.memory_space<hbm>>
    %dma_start3A_400 = arith.constant 0 : i32
    %dma_start3A_401 = arith.constant 0 : i32
    %dma_start3A_402 = tpu.memref_slice %arg6[%dma_start3A_391, %dma_start3A_400, %dma_start3A_401] : memref<3x640x32xf32, #tpu.memory_space<vmem>> -> memref<1x640x32xf32, #tpu.memory_space<vmem>>
    %dma_start3A_403 = tpu.memref_squeeze %dma_start3A_402 : memref<1x640x32xf32, #tpu.memory_space<vmem>> -> memref<640x32xf32, #tpu.memory_space<vmem>>
    tpu.enqueue_dma source(%dma_start3A_403 : memref<640x32xf32, #tpu.memory_space<vmem>>) target(%dma_start3A_399 : memref<640x32xf32, #tpu.memory_space<hbm>>) target_semaphore(%arg10 : memref<!tpu.dma_semaphore, #tpu.memory_space<semaphore_mem>>)
    %dma_wait3A_404 = arith.constant 0 : i32
    %dma_wait3A_405 = arith.constant 0 : i32
    %dma_wait3A_406 = arith.constant 0 : i32
    %dma_wait3A_407 = tpu.memref_slice %arg6[%dma_wait3A_404, %dma_wait3A_405, %dma_wait3A_406] : memref<3x640x32xf32, #tpu.memory_space<vmem>> -> memref<1x640x32xf32, #tpu.memory_space<vmem>>
    %dma_wait3A_408 = tpu.memref_squeeze %dma_wait3A_407 : memref<1x640x32xf32, #tpu.memory_space<vmem>> -> memref<640x32xf32, #tpu.memory_space<vmem>>
    %dma_wait3A_409 = arith.constant 0 : i32
    %dma_wait3A_410 = tpu.memref_slice %arg4[%mul3A_2, %dma_wait3A_409] : memref<819200x32xf32, #tpu.memory_space<hbm>> -> memref<640x32xf32, #tpu.memory_space<hbm>>
    %dma_wait3A_411 = arith.constant 0 : i32
    %dma_wait3A_412 = tpu.memref_slice %arg4[%mul3A_2, %dma_wait3A_411] : memref<819200x32xf32, #tpu.memory_space<hbm>> -> memref<640x32xf32, #tpu.memory_space<hbm>>
    %dma_wait3A_413 = arith.constant 0 : i32
    %dma_wait3A_414 = arith.constant 0 : i32
    %dma_wait3A_415 = tpu.memref_slice %arg6[%dma_wait3A_404, %dma_wait3A_413, %dma_wait3A_414] : memref<3x640x32xf32, #tpu.memory_space<vmem>> -> memref<1x640x32xf32, #tpu.memory_space<vmem>>
    %dma_wait3A_416 = tpu.memref_squeeze %dma_wait3A_415 : memref<1x640x32xf32, #tpu.memory_space<vmem>> -> memref<640x32xf32, #tpu.memory_space<vmem>>
    tpu.wait_dma2 semaphore(%arg10 : memref<!tpu.dma_semaphore, #tpu.memory_space<semaphore_mem>>) src(%dma_wait3A_416 : memref<640x32xf32, #tpu.memory_space<vmem>>) dst(%dma_wait3A_412 : memref<640x32xf32, #tpu.memory_space<hbm>>)
    return
  }
}

</mosaic_0001>

<sc_bundles>
// kernel: _gather.3.cloned.1.call-start
scs
__scs_entry_jumppad:
0x0: {  	(pc) =	sbr.rel $0x88, $3  }
0x1: {  	(tag) =	ssettag $0x0;
	lr =	simm.s32 $0x1  }
0x2: {  	[smem:$0x3F9F] =	sst lr;
	_ =	strace $0xD0000000  }
0x3: {  	_ = 	snop  }
0x4: {  	_ = 	snop  }
0x5: {  	_ = 	snop  }
0x6: {  	_ = 	snop  }
0x7: {  	_ = 	snop  }
__scs_overlays_trampoline_lowered:
0x8: {  	[smem:$0x3FAE] =	sst s0  }
0x9: {  	[smem:$0x3FAF] =	sst s1  }
0xa: {  	[smem:$0x3FB0] =	sst s2  }
0xb: {  	[smem:$0x3FB1] =	sst s3  }
0xc: {  	[smem:$0x3FB2] =	sst s4  }
0xd: {  	[smem:$0x3FB3] =	sst s5  }
0xe: {  	[smem:$0x3FB4] =	sst s6  }
0xf: {  	[smem:$0x3FB5] =	sst s7  }
0x10: {  	[smem:$0x3FB6] =	sst s8  }
0x11: {  	[smem:$0x3FB7] =	sst s9;
	s0 =	simm.s32 @!p0 $0x0  }
0x12: {  	s1 =	sld [smem:$0x3F9D];
	s0 =	simm.s32 @p0 $0x1  }
0x13: {  	[smem:$0x3FB8] =	sst s0;
	s0 =	simm.s32 @!p1 $0x0  }
0x14: {  	s2 =	sld [smem:$0x3F9C];
	s0 =	simm.s32 @p1 $0x1  }
0x15: {  	[smem:$0x3FB9] =	sst s0;
	s0 =	simm.s32 @!p2 $0x0  }
0x16: {  	s3 =	sld [smem:$0x3FDB];
	s0 =	simm.s32 @p2 $0x1  }
0x17: {  	s4 =	simm.s32 $0x1BF5;
	[smem:$0x3FBB] =	sst s0  }
0x18: {  	s0 =	sld [smem:$0x3F9E];
	_ =	swait.ge [sflag:s4], $0x0  }
0x19: {  	s7 =	sld [smem:$0x3F9F]  }
0x1a: {  	s8 =	sadd.s32 $0xFFFFE003, lr  }
0x1b: {  	s9 =	sadd.s32 $0xFFFFFEF7, lr;
	s5 =	simm.s32 $0xFFFFFFFF;
	p2 =	slt.u32 s8, $0xFFFFF086  }
0x1c: {  	p1 =	slt.u32 s9, $0xF7A;
	s5 =	simm.s32 @!p2 $0x0  }
0x1d: {  	s5 =	simm.s32 @p1 $0x1;
	p0 =	seq.s32 s7, s2  }
0x1e: {  	s7 =	smul.u32 @!p0 $0xF7A, s2;
	p2 =	seq.s32 @!p0 s5, $0x0  }
0x1f: {  	s9 =	smul.u32 $0xF7A, s1;
	s8 =	simm.s32 @!p0 $0x1BF5;
	p2 =	por !p2, p0  }
0x20: {  	[sflag:s8] =	ssyncset.s32 @!p0 $0xFFFFF086;
	s6 =	sadd.s32 @!p0 s3, s7;
	s7 =	simm.s32 @!p0 $0x108  }
0x21: {  	s3 =	sadd.s32 s3, s9;
	s6 =	sadd.s32 @!p0 $0x88, s6;
	s7 =	simm.s32 @p2 $0x1082  }
0x22: {  	[simem:s7], [sflag:s8] =	dma.local @!p0 [hbm:s6], $0xF7A  }
0x23: {  	s9 =	sor.u32 $0xD0000000, s2;
	s6 =	simm.s32 $0x108;
	_ =	swait.ge @!p0 [sflag:s8], $0x0  }
0x24: {  	s3 =	sadd.s32 $0x88, s3;
	s6 =	simm.s32 @!p1 $0x1082;
	[sflag:s4] =	ssyncset.s32 $0xFFFFF086  }
0x25: {  	[simem:s6], [sflag:s4] =	dma.local [hbm:s3], $0xF7A  }
0x26: {  	[smem:$0x3F9F] =	sst s1;
	(tag) =	ssettag s2;
	_ =	strace s9  }
0x27: {  	s1 =	sld [smem:$0x3FAF]  }
0x28: {  	s2 =	sld [smem:$0x3FB0]  }
0x29: {  	s4 =	sld [smem:$0x3FB2]  }
0x2a: {  	p0 =	seq.s32 s5, $0x0;
	s5 =	sld [smem:$0x3FB3]  }
0x2b: {  	s6 =	sld [smem:$0x3FB4]  }
0x2c: {  	s7 =	sld [smem:$0x3FB5]  }
0x2d: {  	s3 =	simm.s32 $0x108;
	s8 =	sld [smem:$0x3FB6]  }
0x2e: {  	s3 =	simm.s32 @!p0 $0x1082;
	s9 =	sld [smem:$0x3FB7]  }
0x2f: {  	lr =	sadd.s32 s0, s3;
	s0 =	sld [smem:$0x3FAE]  }
0x30: {  	s3 =	sld [smem:$0x3FB1]  }
0x31: {  	[smem:$0x3FBA] =	sst s10  }
0x32: {  	s10 =	sld [smem:$0x3FB8];
	_ =	sdelay $0x3  }
0x33: {  	p0 =	seq.s32 s10, $0x1;
	s10 =	sld [smem:$0x3FBA];
	_ =	sdelay $0x3  }
0x34: {  	[smem:$0x3FBA] =	sst s10  }
0x35: {  	s10 =	sld [smem:$0x3FB9];
	_ =	sdelay $0x3  }
0x36: {  	p1 =	seq.s32 s10, $0x1;
	s10 =	sld [smem:$0x3FBA];
	_ =	sdelay $0x3  }
0x37: {  	[smem:$0x3FBA] =	sst s10  }
0x38: {  	s10 =	sld [smem:$0x3FBB]  }
0x39: {  	_ = 	snop;
	(pc) =	sbr.ind lr, $3  }
0x3a: {  	_ = 	snop  }
0x3b: {  	_ = 	snop  }
0x3c: {  	p2 =	seq.s32 s10, $0x1;
	s10 =	sld [smem:$0x3FBA]  }
0x3d: {  	_ =	shalt  }
0x3e: {  	_ =	shalt  }
0x3f: {  	_ =	shalt  }
0x40: {  	_ =	shalt  }
0x41: {  	_ =	shalt  }
0x42: {  	_ =	shalt  }
0x43: {  	_ =	shalt  }
0x44: {  	_ =	shalt  }
0x45: {  	_ =	shalt  }
0x46: {  	_ =	shalt  }
0x47: {  	_ =	shalt  }
0x48: {  	_ =	shalt  }
0x49: {  	_ =	shalt  }
0x4a: {  	_ =	shalt  }
0x4b: {  	_ =	shalt  }
0x4c: {  	_ =	shalt  }
0x4d: {  	_ =	shalt  }
0x4e: {  	_ =	shalt  }
0x4f: {  	_ =	shalt  }
0x50: {  	_ =	shalt  }
0x51: {  	_ =	shalt  }
0x52: {  	_ =	shalt  }
0x53: {  	_ =	shalt  }
0x54: {  	_ =	shalt  }
0x55: {  	_ =	shalt  }
0x56: {  	_ =	shalt  }
0x57: {  	_ =	shalt  }
0x58: {  	_ =	shalt  }
0x59: {  	_ =	shalt  }
0x5a: {  	_ =	shalt  }
0x5b: {  	_ =	shalt  }
0x5c: {  	_ =	shalt  }
0x5d: {  	_ =	shalt  }
0x5e: {  	_ =	shalt  }
0x5f: {  	_ =	shalt  }
0x60: {  	_ =	shalt  }
0x61: {  	_ =	shalt  }
0x62: {  	_ =	shalt  }
0x63: {  	_ =	shalt  }
0x64: {  	_ =	shalt  }
0x65: {  	_ =	shalt  }
0x66: {  	_ =	shalt  }
0x67: {  	_ =	shalt  }
0x68: {  	_ =	shalt  }
0x69: {  	_ =	shalt  }
0x6a: {  	_ =	shalt  }
0x6b: {  	_ =	shalt  }
0x6c: {  	_ =	shalt  }
0x6d: {  	_ =	shalt  }
0x6e: {  	_ =	shalt  }
0x6f: {  	_ =	shalt  }
0x70: {  	_ =	shalt  }
0x71: {  	_ =	shalt  }
0x72: {  	_ =	shalt  }
0x73: {  	_ =	shalt  }
0x74: {  	_ =	shalt  }
0x75: {  	_ =	shalt  }
0x76: {  	_ =	shalt  }
0x77: {  	_ =	shalt  }
0x78: {  	_ =	shalt  }
0x79: {  	_ =	shalt  }
0x7a: {  	_ =	shalt  }
0x7b: {  	_ =	shalt  }
0x7c: {  	_ =	shalt  }
0x7d: {  	_ =	shalt  }
0x7e: {  	_ =	shalt  }
0x7f: {  	_ =	shalt  }
0x80: {  	_ =	shalt  }
0x81: {  	_ =	shalt  }
0x82: {  	_ =	shalt  }
0x83: {  	_ =	shalt  }
0x84: {  	_ =	shalt  }
0x85: {  	_ =	shalt  }
0x86: {  	_ =	shalt  }
0x87: {  	_ =	shalt  }
.Lfunc_end0:
.L_simem_size_0:
called_computation.1_lowered:
.L_overlay_start_0:
0x88: {  	s2 =	sld [smem:$0x3FD9]  }
0x89: {  	s3 =	sld [smem:$0x3FFE];
	_ =	sdelay $0x1  }
0x8a: {  	s1 =	srdreg.scid  }
0x8b: {  	s0 =	sand.u32 $0x1, s1  }
0x8c: {  	s17 =	sshll.u32 s0, $0xA;
	s2 =	sadd.s32 s3, s2  }
0x8d: {  	s2 =	sadd.s32 s2, s17  }
0x8e: {  	[smem:$0x3FC6] =	sst s2  }
0x8f: {  	_ = 	snop  }
0x90: {  	s2 =	sld [smem:$0x3FC9]  }
0x91: {  	s18 =	sld [smem:$0x3FD0];
	(tm) =	ssettm $0x1  }
0x92: {  	s4 =	sld [smem:$0x3FFB];
	_ =	sdelay $0x3  }
0x93: {  	_ =	strace s4  }
0x94: {  	s4 =	sld [smem:$0x3FFC];
	_ =	sdelay $0x3  }
0x95: {  	_ =	strace s4  }
0x96: {  	s4 =	sld [smem:$0x3FFD];
	_ =	sdelay $0x3  }
0x97: {  	_ =	strace s4  }
0x98: {  	_ =	strace $0x8FFFFFFF  }
0x99: {  	s19 =	sld [smem:$0x3FDB];
	_ =	sdelay $0x1  }
0x9a: {  	s5 =	simm.s32 $_scs_section_size  }
0x9b: {  	s6 =	simm.s32 $_size__tile_overlayer_lowered;
	s7 =	simm.s32 $_tile_overlayer_lowered  }
0x9c: {  	s22 =	simm.s32 $0x1BFF;
	s21 =	sshll.u32 s7, $0x1;
	s4 =	sadd.s32 s5, s19  }
0x9d: {  	s8 =	simm.s32 $0x0;
	s20 =	sshll.u32 s6, $0x1;
	s6 =	sadd.s32 s21, s4  }
0x9e: {  	[timem:s8], [sflag:s22] =	dma.local [hbm:s6], s20  }
0x9f: {  	_ =	swait.ge [sflag:s22], s20  }
0xa0: {  	s5 =	ssub.s32 $0x0, s20;
	[sflag:s22] =	ssyncset.done $0x0  }
0xa1: {  	[sflag:s22] =	ssyncadd.s32 s5;
	_ =	sdelay $0x1  }
0xa2: {  	s23 =	simm.s32 $0x1B8B  }
0xa3: {  	_ =	swait.ge [sflag:s23], $0x1  }
0xa4: {  	[sflag:s23] =	ssyncset.done $0x0  }
0xa5: {  	s25 =	simm.s32 $0x1B8E;
	s24 =	sld [smem:$0x3FFE];
	[sflag:s23] =	ssyncadd.s32 $0xFFFFFFFF  }
0xa6: {  	s26 =	simm.s32 $execute0_lowered;
	[smem:$0x3FD2] =	sst s25  }
0xa7: {  	s6 =	sshll.u32 s26, $0x1;
	_ =	strace $0x80000046;
	[dreg:$0x1] =	wrdreg $0xFFFFFFFF  }
0xa8: {  	s28 =	simm.s32 $_size_execute0_lowered;
	s4 =	sadd.s32 s4, s6;
	[dreg:$0x0] =	wrdreg $0x0  }
0xa9: {  	s6 =	sshll.u32 s28, $0x1;
	[dreg:$0x2] =	wrdreg s4  }
0xaa: {  	[dreg:$0x3] =	wrdreg s6  }
0xab: {  	[dreg:$0x4] =	wrdreg $0xC0  }
0xac: {  	_ =	task [dreg:s8], $0x5FFFF  }
0xad: {  	[dreg:$0x1] =	wrdreg $0xFFFFFFFF  }
0xae: {  	[dreg:$0x0] =	wrdreg $0x60  }
0xaf: {  	[dreg:$0x2] =	wrdreg s2  }
0xb0: {  	[dreg:$0x3] =	wrdreg s24  }
0xb1: {  	[dreg:$0x4] =	wrdreg s18  }
0xb2: {  	[dreg:$0x5] =	wrdreg $0x9  }
0xb3: {  	_ =	task.clear_ibuf [dreg:s8], $0x6FFFF;
	_ =	strace $0x90000046  }
0xb4: {  	s29 =	simm.s32 $0x9;
	_ =	strace $0x80000048  }
0xb5: {  	_ =	swait.ge [sflag:s29], $0x1  }
0xb6: {  	[sflag:s29] =	ssyncadd.s32 $0xFFFFFFFF  }
0xb7: {  	_ =	strace $0x90000048  }
0xb8: {  	_ =	sfence  }
0xb9: {  	s30 =	sld [smem:$0x0];
	_ =	sdelay $0x2  }
0xba: {  	s31 =	sshll.u32 s1, $0xD;
	s1 =	sshrl.u32 s1, $0x2  }
0xbb: {  	s3 =	sand.u32 $0x4000, s31;
	s1 =	sadd.s32 s1, s30  }
0xbc: {  	s0 =	sor.u32 s3, s0;
	s1 =	sshll.u32 s1, $0x11  }
0xbd: {  	s0 =	sor.u32 s1, s0  }
0xbe: {  	s0 =	sadd.s32 $0x8F2B, s0  }
0xbf: {  	[sflag:s0] =	ssyncadd.remote.s32 $0x1  }
0xc0: {  	_ =	sfence.sel $0xFFFF  }
0xc1: {  	[dreg:$0x0] =	wrdreg $0xFFFFFFFF;
	(pc) =	sbr.abs _section_cstart, $3  }
0xc2: {  	[dreg:$0x1] =	wrdreg $0xFFFFFFFF  }
0xc3: {  	_ =	task.clear_ibuf [dreg:s8], $0x2FFFF;
	_ =	strace $0x9FFFFFFF  }
0xc4: {  	(tm) =	ssettm $0x7FFFFFFF  }
0xc5: {  	_ =	shalt  }
tec
execute0_lowered:
.L_overlay_start_1:
0x0: {  	(tag) =	ssettag $0x1  }
0x1: {  	s0 =	rddreg [dreg:$0x0]  }
0x2: {  	s1 =	srdreg.scid;
	s3 =	rddreg [dreg:$0x1]  }
0x3: {  	s12 =	stileid.u32;
	s4 =	rddreg [dreg:$0x2];
	s13 =	simm.s32 $0x7400  }
0x4: {  	s15 =	simm.s32 $0x8400;
	s17 =	simm.s32 $0x9400;
	s19 =	simm.s32 $0xA400  }
0x5: {  	s28 =	simm.s32 $0xE400;
	s30 =	simm.s32 $0xF400;
	s31 =	simm.s32 $0x1  }
0x6: {  	s16 =	simm.s32 $0x11400;
	s29 =	simm.s32 $0x14400;
	s9 =	smul.u32 $0xC800, s12  }
0x7: {  	s14 =	simm.s32 $0x4;
	s1 =	sand.u32 $0x1, s1;
	s23 =	smul.u32 $0x32000, s12  }
0x8: {  	s18 =	simm.s32 $0x5;
	s2 =	sshll.u32 s12, $0x1;
	s11 =	smul.u32 $0x6400, s1  }
0x9: {  	s5 =	sor.u32 s1, s2;
	s8 =	ssub.s32 $0x2, s1;
	s1 =	smul.u32 $0x19000, s1  }
0xa: {  	s3 =	sadd.s32 $0xF42C00, s3;
	s2 =	simm.s32 $0x0;
	s6 =	smul.u32 $0x6400, s5  }
0xb: {  	s12 =	simm.s32 $0x6400;
	[smem:$0x7FF] =	sst s2;
	s7 =	smul.u32 $0x19000, s5  }
0xc: {  	s10 =	sshrl.u32 s8, $0x1;
	s21 =	smul.u32 $0xC8000, s5;
	_ =	strace $0x80000047  }
0xd: {  	s10 =	ssub.s32 s8, s10;
	s22 =	sadd.s32 s11, s9;
	s11 =	simm.s32 $0x80  }
0xe: {  	s6 =	sshrl.u32 s6, $0x3;
	s20 =	sadd.s32 s4, s7;
	s5 =	sshll.u32 s22, $0x2  }
0xf: {  	s26 =	smax.u32 s10, $0x1;
	s10 =	simm.s32 $0x7;
	[dreg:$0x8] =	wrdreg s20  }
0x10: {  	s22 =	simm.s32 $0x6;
	s0 =	sadd.s32 s0, s6;
	[dreg:$0xc] =	wrdreg s26  }
0x11: {  	s6 =	sadd.s32 $0xA00, s20;
	s5 =	sadd.s32 s4, s5;
	[dreg:$0x7] =	wrdreg s0  }
0x12: {  	s20 =	simm.s32 $0x12400;
	s26 =	simm.s32 $0x3;
	[dreg:$0x9] =	wrdreg s6  }
0x13: {  	s0 =	sshrl.u32 s21, $0x3;
	s24 =	sadd.s32 $0x1E00, s5;
	s5 =	sadd.s32 $0x1400, s5  }
0x14: {  	s21 =	simm.s32 $0xB400;
	s0 =	sadd.s32 s4, s0;
	[dreg:$0x4] =	wrdreg s24  }
0x15: {  	s4 =	sadd.s32 s23, s4;
	[dreg:$0x5] =	wrdreg s5;
	s23 =	simm.s32 $0xC400  }
0x16: {  	s24 =	simm.s32 $0x13400;
	s1 =	sadd.s32 s1, s4;
	s25 =	sadd.s32 $0x17C00, s0  }
0x17: {  	s0 =	sadd.s32 $0x18600, s0;
	s4 =	simm.s32 $0x0;
	[dreg:$0xa] =	wrdreg s25  }
0x18: {  	s1 =	sadd.s32 $0x2800, s1;
	[dreg:$0xb] =	wrdreg s0;
	s25 =	simm.s32 $0xD400  }
0x19: {  	s0 =	simm.s32 $0x10400;
	[dreg:$0x6] =	wrdreg s1;
	s1 =	simm.s32 $0x2  }
.LBB2_1:
0x1a: {  	s5 =	rddreg [dreg:$0x7]  }
0x1b: {  	[tilespmem:s2], [sflag:$0x7] =	stream.linear.gather [hbm4b:s5+s2], $0x6400, $0x38;
	[tilespmem:$0x15400] =	vst v63  }
0x1c: {  	_ =	swait.ge [sflag:s10], $0x6400  }
0x1d: {  	[sflag:s10] =	ssyncset.done $0x0  }
0x1e: {  	[sflag:s10] =	ssyncadd.s32 $0xFFFF9C00  }
0x1f: {  	[tilespmem:s12], [sflag:$0x1] =	stream.indirect.gather [hbm4b:s3+s11], $0x20, s2, s11, $0xb8;
	[tilespmem:$0x15400] =	vst v63  }
0x20: {  	_ = 	snop  }
0x21: {  	[tilespmem:s13], [sflag:$0x1] =	stream.indirect.gather [hbm4b:s3+s11], $0x20, s11, s11, $0xb8;
	[tilespmem:$0x15400] =	vst v63  }
0x22: {  	s9 =	simm.s32 $0x100  }
0x23: {  	[tilespmem:s15], [sflag:$0x1] =	stream.indirect.gather [hbm4b:s3+s11], $0x20, s9, s11, $0xb8;
	[tilespmem:$0x15400] =	vst v63  }
0x24: {  	s6 =	simm.s32 $0x180  }
0x25: {  	[tilespmem:s17], [sflag:$0x1] =	stream.indirect.gather [hbm4b:s3+s11], $0x20, s6, s11, $0xb8;
	[tilespmem:$0x15400] =	vst v63  }
0x26: {  	s7 =	simm.s32 $0x200  }
0x27: {  	[tilespmem:s19], [sflag:$0x1] =	stream.indirect.gather [hbm4b:s3+s11], $0x20, s7, s11, $0xb8;
	[tilespmem:$0x15400] =	vst v63  }
0x28: {  	s8 =	simm.s32 $0x280  }
0x29: {  	[tilespmem:s21], [sflag:$0x2] =	stream.indirect.gather [hbm4b:s3+s11], $0x20, s8, s11, $0xb8;
	[tilespmem:$0x15400] =	vst v63  }
0x2a: {  	s9 =	simm.s32 $0x300  }
0x2b: {  	[tilespmem:s23], [sflag:$0x2] =	stream.indirect.gather [hbm4b:s3+s11], $0x20, s9, s11, $0xb8;
	[tilespmem:$0x15400] =	vst v63  }
0x2c: {  	s6 =	simm.s32 $0x380  }
0x2d: {  	[tilespmem:s25], [sflag:$0x2] =	stream.indirect.gather [hbm4b:s3+s11], $0x20, s6, s11, $0xb8;
	[tilespmem:$0x15400] =	vst v63  }
0x2e: {  	s7 =	simm.s32 $0x400  }
0x2f: {  	[tilespmem:s28], [sflag:$0x2] =	stream.indirect.gather [hbm4b:s3+s11], $0x20, s7, s11, $0xb8;
	[tilespmem:$0x15400] =	vst v63  }
0x30: {  	s8 =	simm.s32 $0x480  }
0x31: {  	[tilespmem:s30], [sflag:$0x2] =	stream.indirect.gather [hbm4b:s3+s11], $0x20, s8, s11, $0xb8;
	[tilespmem:$0x15400] =	vst v63  }
0x32: {  	_ =	swait.ge [sflag:s31], $0x5000  }
0x33: {  	[sflag:s31] =	ssyncset.done $0x0  }
0x34: {  	s9 =	simm.s32 $0x500;
	[sflag:s31] =	ssyncadd.s32 $0xFFFFB000  }
0x35: {  	[tilespmem:s0], [sflag:$0x3] =	stream.indirect.gather [hbm4b:s3+s11], $0x20, s9, s11, $0xb8;
	[tilespmem:$0x15400] =	vst v63  }
0x36: {  	s6 =	simm.s32 $0x580  }
0x37: {  	[tilespmem:s16], [sflag:$0x3] =	stream.indirect.gather [hbm4b:s3+s11], $0x20, s6, s11, $0xb8;
	[tilespmem:$0x15400] =	vst v63  }
0x38: {  	s7 =	simm.s32 $0x600  }
0x39: {  	[tilespmem:s20], [sflag:$0x3] =	stream.indirect.gather [hbm4b:s3+s11], $0x20, s7, s11, $0xb8;
	[tilespmem:$0x15400] =	vst v63  }
0x3a: {  	s8 =	simm.s32 $0x680  }
0x3b: {  	[tilespmem:s24], [sflag:$0x3] =	stream.indirect.gather [hbm4b:s3+s11], $0x20, s8, s11, $0xb8;
	[tilespmem:$0x15400] =	vst v63  }
0x3c: {  	s9 =	simm.s32 $0x700  }
0x3d: {  	[tilespmem:s29], [sflag:$0x3] =	stream.indirect.gather [hbm4b:s3+s11], $0x20, s9, s11, $0xb8;
	[tilespmem:$0x15400] =	vst v63  }
0x3e: {  	s6 =	rddreg [dreg:$0x8]  }
0x3f: {  	[hbm4b:s6+s2] =	stream.linear.scatter [tilespmem:s12], [sflag:$0x4], $0x5000, $0x38;
	[tilespmem:$0x15400] =	vst v63  }
0x40: {  	_ =	swait.ge [sflag:s1], $0x5000  }
0x41: {  	[sflag:s1] =	ssyncset.done $0x0  }
0x42: {  	[sflag:s1] =	ssyncadd.s32 $0xFFFFB000  }
0x43: {  	_ =	swait.ge [sflag:s14], $0x5000  }
0x44: {  	[sflag:s14] =	ssyncset.done $0x0  }
0x45: {  	s7 =	simm.s32 $0x780;
	[sflag:s14] =	ssyncadd.s32 $0xFFFFB000  }
0x46: {  	[tilespmem:s12], [sflag:$0x1] =	stream.indirect.gather [hbm4b:s3+s11], $0x20, s7, s11, $0xb8;
	[tilespmem:$0x15400] =	vst v63  }
0x47: {  	s8 =	simm.s32 $0x800  }
0x48: {  	[tilespmem:s13], [sflag:$0x1] =	stream.indirect.gather [hbm4b:s3+s11], $0x20, s8, s11, $0xb8;
	[tilespmem:$0x15400] =	vst v63  }
0x49: {  	s9 =	simm.s32 $0x880  }
0x4a: {  	[tilespmem:s15], [sflag:$0x1] =	stream.indirect.gather [hbm4b:s3+s11], $0x20, s9, s11, $0xb8;
	[tilespmem:$0x15400] =	vst v63  }
0x4b: {  	s6 =	simm.s32 $0x900  }
0x4c: {  	[tilespmem:s17], [sflag:$0x1] =	stream.indirect.gather [hbm4b:s3+s11], $0x20, s6, s11, $0xb8;
	[tilespmem:$0x15400] =	vst v63  }
0x4d: {  	s7 =	simm.s32 $0x980  }
0x4e: {  	[tilespmem:s19], [sflag:$0x1] =	stream.indirect.gather [hbm4b:s3+s11], $0x20, s7, s11, $0xb8;
	[tilespmem:$0x15400] =	vst v63  }
0x4f: {  	s8 =	rddreg [dreg:$0x9]  }
0x50: {  	[hbm4b:s8+s2] =	stream.linear.scatter [tilespmem:s21], [sflag:$0x5], $0x5000, $0x38;
	[tilespmem:$0x15400] =	vst v63  }
0x51: {  	_ =	swait.ge [sflag:s26], $0x5000  }
0x52: {  	[sflag:s26] =	ssyncset.done $0x0  }
0x53: {  	[sflag:s26] =	ssyncadd.s32 $0xFFFFB000  }
0x54: {  	_ =	swait.ge [sflag:s18], $0x5000  }
0x55: {  	[sflag:s18] =	ssyncset.done $0x0  }
0x56: {  	s9 =	simm.s32 $0xA00;
	[sflag:s18] =	ssyncadd.s32 $0xFFFFB000  }
0x57: {  	[tilespmem:s21], [sflag:$0x2] =	stream.indirect.gather [hbm4b:s3+s11], $0x20, s9, s11, $0xb8;
	[tilespmem:$0x15400] =	vst v63  }
0x58: {  	s6 =	simm.s32 $0xA80  }
0x59: {  	[tilespmem:s23], [sflag:$0x2] =	stream.indirect.gather [hbm4b:s3+s11], $0x20, s6, s11, $0xb8;
	[tilespmem:$0x15400] =	vst v63  }
0x5a: {  	s7 =	simm.s32 $0xB00  }
0x5b: {  	[tilespmem:s25], [sflag:$0x2] =	stream.indirect.gather [hbm4b:s3+s11], $0x20, s7, s11, $0xb8;
	[tilespmem:$0x15400] =	vst v63  }
0x5c: {  	s8 =	simm.s32 $0xB80  }
0x5d: {  	[tilespmem:s28], [sflag:$0x2] =	stream.indirect.gather [hbm4b:s3+s11], $0x20, s8, s11, $0xb8;
	[tilespmem:$0x15400] =	vst v63  }
0x5e: {  	s9 =	simm.s32 $0xC00;
	s6 =	rddreg [dreg:$0x5]  }
0x5f: {  	[tilespmem:s30], [sflag:$0x2] =	stream.indirect.gather [hbm4b:s3+s11], $0x20, s9, s11, $0xb8;
	[tilespmem:$0x15400] =	vst v63  }
0x60: {  	s7 =	sadd.s32 $0x0, s6  }
0x61: {  	[hbm4b:s7+s2] =	stream.linear.scatter [tilespmem:s0], [sflag:$0x6], $0x5000, $0x38;
	[tilespmem:$0x15400] =	vst v63  }
0x62: {  	_ =	swait.ge [sflag:s31], $0x5000  }
0x63: {  	[sflag:s31] =	ssyncset.done $0x0  }
0x64: {  	[sflag:s31] =	ssyncadd.s32 $0xFFFFB000  }
0x65: {  	_ =	swait.ge [sflag:s22], $0x5000  }
0x66: {  	[sflag:s22] =	ssyncset.done $0x0  }
0x67: {  	s8 =	simm.s32 $0xC80;
	[sflag:s22] =	ssyncadd.s32 $0xFFFFB000  }
0x68: {  	[tilespmem:s0], [sflag:$0x3] =	stream.indirect.gather [hbm4b:s3+s11], $0x20, s8, s11, $0xb8;
	[tilespmem:$0x15400] =	vst v63  }
0x69: {  	s9 =	simm.s32 $0xD00  }
0x6a: {  	[tilespmem:s16], [sflag:$0x3] =	stream.indirect.gather [hbm4b:s3+s11], $0x20, s9, s11, $0xb8;
	[tilespmem:$0x15400] =	vst v63  }
0x6b: {  	s6 =	simm.s32 $0xD80  }
0x6c: {  	[tilespmem:s20], [sflag:$0x3] =	stream.indirect.gather [hbm4b:s3+s11], $0x20, s6, s11, $0xb8;
	[tilespmem:$0x15400] =	vst v63  }
0x6d: {  	s7 =	simm.s32 $0xE00  }
0x6e: {  	[tilespmem:s24], [sflag:$0x3] =	stream.indirect.gather [hbm4b:s3+s11], $0x20, s7, s11, $0xb8;
	[tilespmem:$0x15400] =	vst v63  }
0x6f: {  	s8 =	rddreg [dreg:$0x4];
	s9 =	simm.s32 $0xE80  }
0x70: {  	[tilespmem:s29], [sflag:$0x3] =	stream.indirect.gather [hbm4b:s3+s11], $0x20, s9, s11, $0xb8;
	[tilespmem:$0x15400] =	vst v63  }
0x71: {  	s7 =	sadd.s32 $0x0, s8  }
0x72: {  	[hbm4b:s7+s2] =	stream.linear.scatter [tilespmem:s12], [sflag:$0x4], $0x5000, $0x38;
	[tilespmem:$0x15400] =	vst v63  }
0x73: {  	_ =	swait.ge [sflag:s1], $0x5000  }
0x74: {  	[sflag:s1] =	ssyncset.done $0x0  }
0x75: {  	[sflag:s1] =	ssyncadd.s32 $0xFFFFB000  }
0x76: {  	_ =	swait.ge [sflag:s14], $0x5000  }
0x77: {  	[sflag:s14] =	ssyncset.done $0x0  }
0x78: {  	s8 =	simm.s32 $0xF00;
	[sflag:s14] =	ssyncadd.s32 $0xFFFFB000  }
0x79: {  	[tilespmem:s12], [sflag:$0x1] =	stream.indirect.gather [hbm4b:s3+s11], $0x20, s8, s11, $0xb8;
	[tilespmem:$0x15400] =	vst v63  }
0x7a: {  	s9 =	simm.s32 $0xF80  }
0x7b: {  	[tilespmem:s13], [sflag:$0x1] =	stream.indirect.gather [hbm4b:s3+s11], $0x20, s9, s11, $0xb8;
	[tilespmem:$0x15400] =	vst v63  }
0x7c: {  	s6 =	simm.s32 $0x1000  }
0x7d: {  	[tilespmem:s15], [sflag:$0x1] =	stream.indirect.gather [hbm4b:s3+s11], $0x20, s6, s11, $0xb8;
	[tilespmem:$0x15400] =	vst v63  }
0x7e: {  	s7 =	simm.s32 $0x1080;
	s8 =	rddreg [dreg:$0x6]  }
0x7f: {  	[tilespmem:s17], [sflag:$0x1] =	stream.indirect.gather [hbm4b:s3+s11], $0x20, s7, s11, $0xb8;
	[tilespmem:$0x15400] =	vst v63  }
0x80: {  	s5 =	sadd.s32 $0x0, s8;
	s9 =	simm.s32 $0x1100;
	s6 =	simm.s32 $0x1E00  }
0x81: {  	[tilespmem:s19], [sflag:$0x1] =	stream.indirect.gather [hbm4b:s3+s11], $0x20, s9, s11, $0xb8;
	[tilespmem:$0x15400] =	vst v63  }
.LBB2_2:
0x82: {  	[hbm4b:s5+s2] =	stream.linear.scatter [tilespmem:s21], [sflag:$0x5], $0x5000, $0x38;
	[tilespmem:$0x15400] =	vst v63  }
0x83: {  	_ =	swait.ge [sflag:s26], $0x5000  }
0x84: {  	[sflag:s26] =	ssyncset.done $0x0  }
0x85: {  	[sflag:s26] =	ssyncadd.s32 $0xFFFFB000  }
0x86: {  	s5 =	smov.u32 s6;
	_ =	swait.ge [sflag:s18], $0x5000  }
0x87: {  	s7 =	sshra.s32 s5, $0x2;
	[sflag:s18] =	ssyncset.done $0x0  }
0x88: {  	s8 =	sadd.s32 $0xA00, s7;
	[sflag:s18] =	ssyncadd.s32 $0xFFFFB000  }
0x89: {  	[tilespmem:s21], [sflag:$0x2] =	stream.indirect.gather [hbm4b:s3+s11], $0x20, s8, s11, $0xb8;
	[tilespmem:$0x15400] =	vst v63  }
0x8a: {  	s9 =	sadd.s32 $0xA80, s7  }
0x8b: {  	[tilespmem:s23], [sflag:$0x2] =	stream.indirect.gather [hbm4b:s3+s11], $0x20, s9, s11, $0xb8;
	[tilespmem:$0x15400] =	vst v63  }
0x8c: {  	s9 =	sadd.s32 $0xB00, s7  }
0x8d: {  	[tilespmem:s25], [sflag:$0x2] =	stream.indirect.gather [hbm4b:s3+s11], $0x20, s9, s11, $0xb8;
	[tilespmem:$0x15400] =	vst v63  }
0x8e: {  	s8 =	sadd.s32 $0xB80, s7  }
0x8f: {  	[tilespmem:s28], [sflag:$0x2] =	stream.indirect.gather [hbm4b:s3+s11], $0x20, s8, s11, $0xb8;
	[tilespmem:$0x15400] =	vst v63  }
0x90: {  	s9 =	rddreg [dreg:$0x5];
	s8 =	sadd.s32 $0xC00, s7  }
0x91: {  	[tilespmem:s30], [sflag:$0x2] =	stream.indirect.gather [hbm4b:s3+s11], $0x20, s8, s11, $0xb8;
	[tilespmem:$0x15400] =	vst v63  }
0x92: {  	s9 =	sadd.s32 s5, s9  }
0x93: {  	[hbm4b:s9+s2] =	stream.linear.scatter [tilespmem:s0], [sflag:$0x6], $0x5000, $0x38;
	[tilespmem:$0x15400] =	vst v63  }
0x94: {  	_ =	swait.ge [sflag:s31], $0x5000  }
0x95: {  	[sflag:s31] =	ssyncset.done $0x0  }
0x96: {  	[sflag:s31] =	ssyncadd.s32 $0xFFFFB000  }
0x97: {  	_ =	swait.ge [sflag:s22], $0x5000  }
0x98: {  	[sflag:s22] =	ssyncset.done $0x0  }
0x99: {  	s9 =	sadd.s32 $0xC80, s7;
	[sflag:s22] =	ssyncadd.s32 $0xFFFFB000  }
0x9a: {  	[tilespmem:s0], [sflag:$0x3] =	stream.indirect.gather [hbm4b:s3+s11], $0x20, s9, s11, $0xb8;
	[tilespmem:$0x15400] =	vst v63  }
0x9b: {  	s9 =	sadd.s32 $0xD00, s7  }
0x9c: {  	[tilespmem:s16], [sflag:$0x3] =	stream.indirect.gather [hbm4b:s3+s11], $0x20, s9, s11, $0xb8;
	[tilespmem:$0x15400] =	vst v63  }
0x9d: {  	s9 =	sadd.s32 $0xD80, s7  }
0x9e: {  	[tilespmem:s20], [sflag:$0x3] =	stream.indirect.gather [hbm4b:s3+s11], $0x20, s9, s11, $0xb8;
	[tilespmem:$0x15400] =	vst v63  }
0x9f: {  	s8 =	sadd.s32 $0xE00, s7  }
0xa0: {  	[tilespmem:s24], [sflag:$0x3] =	stream.indirect.gather [hbm4b:s3+s11], $0x20, s8, s11, $0xb8;
	[tilespmem:$0x15400] =	vst v63  }
0xa1: {  	s9 =	rddreg [dreg:$0x4];
	s8 =	sadd.s32 $0xE80, s7  }
0xa2: {  	[tilespmem:s29], [sflag:$0x3] =	stream.indirect.gather [hbm4b:s3+s11], $0x20, s8, s11, $0xb8;
	[tilespmem:$0x15400] =	vst v63  }
0xa3: {  	s9 =	sadd.s32 s5, s9  }
0xa4: {  	[hbm4b:s9+s2] =	stream.linear.scatter [tilespmem:s12], [sflag:$0x4], $0x5000, $0x38;
	[tilespmem:$0x15400] =	vst v63  }
0xa5: {  	_ =	swait.ge [sflag:s1], $0x5000  }
0xa6: {  	[sflag:s1] =	ssyncset.done $0x0  }
0xa7: {  	[sflag:s1] =	ssyncadd.s32 $0xFFFFB000  }
0xa8: {  	_ =	swait.ge [sflag:s14], $0x5000  }
0xa9: {  	[sflag:s14] =	ssyncset.done $0x0  }
0xaa: {  	s9 =	sadd.s32 $0xF00, s7;
	[sflag:s14] =	ssyncadd.s32 $0xFFFFB000  }
0xab: {  	[tilespmem:s12], [sflag:$0x1] =	stream.indirect.gather [hbm4b:s3+s11], $0x20, s9, s11, $0xb8;
	[tilespmem:$0x15400] =	vst v63  }
0xac: {  	s9 =	sadd.s32 $0xF80, s7  }
0xad: {  	[tilespmem:s13], [sflag:$0x1] =	stream.indirect.gather [hbm4b:s3+s11], $0x20, s9, s11, $0xb8;
	[tilespmem:$0x15400] =	vst v63  }
0xae: {  	p0 =	sne.s32 s6, $0x14A00;
	s9 =	sadd.s32 $0x1000, s7  }
0xaf: {  	[tilespmem:s15], [sflag:$0x1] =	stream.indirect.gather [hbm4b:s3+s11], $0x20, s9, s11, $0xb8;
	[tilespmem:$0x15400] =	vst v63  }
.Ltmp0:
0xb0: {  	_ = 	snop;
	(pc) =	sbr.rel @p0 .LBB2_2-.Ltmp0, $4  }
0xb1: {  	s8 =	rddreg [dreg:$0x6];
	s9 =	sadd.s32 $0x1080, s7  }
0xb2: {  	[tilespmem:s17], [sflag:$0x1] =	stream.indirect.gather [hbm4b:s3+s11], $0x20, s9, s11, $0xb8;
	[tilespmem:$0x15400] =	vst v63  }
0xb3: {  	s6 =	sadd.s32 $0x1E00, s6;
	s5 =	sadd.s32 s5, s8;
	s7 =	sadd.s32 $0x1100, s7  }
0xb4: {  	[tilespmem:s19], [sflag:$0x1] =	stream.indirect.gather [hbm4b:s3+s11], $0x20, s7, s11, $0xb8;
	[tilespmem:$0x15400] =	vst v63  }
0xb5: {  	[hbm4b:s5+s2] =	stream.linear.scatter [tilespmem:s21], [sflag:$0x5], $0x5000, $0x38;
	[tilespmem:$0x15400] =	vst v63  }
0xb6: {  	_ =	swait.ge [sflag:s26], $0x5000  }
0xb7: {  	[sflag:s26] =	ssyncset.done $0x0  }
0xb8: {  	[sflag:s26] =	ssyncadd.s32 $0xFFFFB000  }
0xb9: {  	_ =	swait.ge [sflag:s18], $0x5000  }
0xba: {  	[sflag:s18] =	ssyncset.done $0x0  }
0xbb: {  	s7 =	rddreg [dreg:$0xa];
	[sflag:s18] =	ssyncadd.s32 $0xFFFFB000  }
0xbc: {  	[hbm4b:s7+s2] =	stream.linear.scatter [tilespmem:s0], [sflag:$0x6], $0x5000, $0x38;
	[tilespmem:$0x15400] =	vst v63  }
0xbd: {  	_ =	swait.ge [sflag:s31], $0x5000  }
0xbe: {  	[sflag:s31] =	ssyncset.done $0x0  }
0xbf: {  	[sflag:s31] =	ssyncadd.s32 $0xFFFFB000  }
0xc0: {  	_ =	swait.ge [sflag:s22], $0x5000  }
0xc1: {  	[sflag:s22] =	ssyncset.done $0x0  }
0xc2: {  	s8 =	rddreg [dreg:$0xb];
	[sflag:s22] =	ssyncadd.s32 $0xFFFFB000  }
0xc3: {  	[hbm4b:s8+s2] =	stream.linear.scatter [tilespmem:s12], [sflag:$0x4], $0x5000, $0x38;
	[tilespmem:$0x15400] =	vst v63  }
0xc4: {  	_ =	swait.ge [sflag:s14], $0x5000  }
0xc5: {  	s4 =	sadd.s32 $0x1, s4;
	s9 =	rddreg [dreg:$0xc]  }
0xc6: {  	p0 =	sne.s32 s4, s9  }
.Ltmp1:
0xc7: {  	_ = 	snop;
	(pc) =	sbr.rel @p0 .LBB2_1-.Ltmp1, $3  }
0xc8: {  	_ =	sdelay $0x1  }
0xc9: {  	[sflag:s14] =	ssyncset.done $0x0  }
0xca: {  	[sflag:s14] =	ssyncadd.s32 $0xFFFFB000  }
0xcb: {  	_ =	sfence.sel $0x180000  }
0xcc: {  	[bflag:$0x0] =	sbarrier.arrive $0xFFFF  }
0xcd: {  	_ =	strace $0x90000047  }
0xce: {  	s0 =	stileid.u32;
	[bflag:$0x2] =	sbarrier.arrive $0xFFFF  }
0xcf: {  	p0 =	sne.s32 s0, $0x0;
	s0 =	rddreg [dreg:$0x3]  }
0xd0: {  	s0 =	sadd.s32 @!p0 $0x100000, s0  }
0xd1: {  	[sflag:s0] =	ssyncadd.tile.s32 @!p0 $0x1;
	_ =	shalt  }
.Lfunc_end2:
_tile_overlayer_lowered:
.L_overlay_start_2:
0xd2: {  	(tag) =	ssettag $0x2  }
0xd3: {  	s0 =	rddreg [dreg:$0x0];
	s2 =	stileid.u32  }
0xd4: {  	s1 =	rddreg [dreg:$0x1];
	p0 =	sne.s32 s2, $0x0  }
0xd5: {  	s3 =	rddreg [dreg:$0x2];
	[bflag:$0x3] =	sbarrier.arrive $0xFFFF;
	s2 =	simm.s32 @!p0 $0x1C07  }
0xd6: {  	[timem:s3], [sflag:s2] =	dma.local @!p0 [hbm:s0], s1  }
0xd7: {  	s0 =	simm.s32 @!p0 $0x7  }
0xd8: {  	_ =	swait.ge @!p0 [sflag:s0], s1  }
0xd9: {  	s1 =	ssub.s32 @!p0 $0x0, s1;
	[sflag:s0] =	ssyncset.done @!p0 $0x0  }
0xda: {  	[sflag:s0] =	ssyncadd.s32 @!p0 s1  }
0xdb: {  	[bflag:$0x3] =	sbarrier.arrive $0xFFFF  }
0xdc: {  	_ =	shalt  }

// kernel: sparse-core-data-format-call.cloned.1.call-start
scs
called_computation_lowered:
.L_overlay_start_0:
0x0: {  	s2 =	sld [smem:$0x3FD9]  }
0x1: {  	s3 =	sld [smem:$0x3FFE];
	_ =	sdelay $0x1  }
0x2: {  	s1 =	srdreg.scid  }
0x3: {  	s0 =	sand.u32 $0x1, s1  }
0x4: {  	s18 =	sshll.u32 s0, $0xA;
	s2 =	sadd.s32 s3, s2  }
0x5: {  	s2 =	sadd.s32 s2, s18  }
0x6: {  	[smem:$0x3FC6] =	sst s2  }
0x7: {  	_ = 	snop  }
0x8: {  	s2 =	sld [smem:$0x3FD0];
	(tm) =	ssettm $0x1  }
0x9: {  	s19 =	sld [smem:$0x3FFB];
	_ =	sdelay $0x3  }
0xa: {  	_ =	strace s19  }
0xb: {  	s3 =	sld [smem:$0x3FFC];
	_ =	sdelay $0x3  }
0xc: {  	_ =	strace s3  }
0xd: {  	s3 =	sld [smem:$0x3FFD];
	_ =	sdelay $0x3  }
0xe: {  	_ =	strace s3  }
0xf: {  	_ =	strace $0x8FFFFFFF  }
0x10: {  	s20 =	sld [smem:$0x3FDB];
	_ =	sdelay $0x1  }
0x11: {  	s4 =	simm.s32 $_scs_section_size  }
0x12: {  	s5 =	simm.s32 $_size__tile_overlayer_lowered;
	s6 =	simm.s32 $_tile_overlayer_lowered  }
0x13: {  	s23 =	simm.s32 $0x1BFF;
	s22 =	sshll.u32 s6, $0x1;
	s3 =	sadd.s32 s4, s20  }
0x14: {  	s7 =	simm.s32 $0x0;
	s21 =	sshll.u32 s5, $0x1;
	s5 =	sadd.s32 s22, s3  }
0x15: {  	[timem:s7], [sflag:s23] =	dma.local [hbm:s5], s21  }
0x16: {  	_ =	swait.ge [sflag:s23], s21  }
0x17: {  	s4 =	ssub.s32 $0x0, s21;
	[sflag:s23] =	ssyncset.done $0x0  }
0x18: {  	[sflag:s23] =	ssyncadd.s32 s4;
	_ =	sdelay $0x1  }
0x19: {  	s24 =	simm.s32 $0x1B8B  }
0x1a: {  	_ =	swait.ge [sflag:s24], $0x1  }
0x1b: {  	[sflag:s24] =	ssyncset.done $0x0  }
0x1c: {  	s26 =	simm.s32 $0x1B8E;
	s25 =	sld [smem:$0x3FFE];
	[sflag:s24] =	ssyncadd.s32 $0xFFFFFFFF  }
0x1d: {  	s27 =	simm.s32 $execute0_lowered;
	[smem:$0x3FD2] =	sst s26  }
0x1e: {  	s5 =	sshll.u32 s27, $0x1;
	_ =	strace $0x80000049;
	[dreg:$0x1] =	wrdreg $0xFFFFFFFF  }
0x1f: {  	s28 =	simm.s32 $_size_execute0_lowered;
	s3 =	sadd.s32 s3, s5;
	[dreg:$0x0] =	wrdreg $0x0  }
0x20: {  	s5 =	sshll.u32 s28, $0x1;
	[dreg:$0x2] =	wrdreg s3  }
0x21: {  	[dreg:$0x3] =	wrdreg s5  }
0x22: {  	[dreg:$0x4] =	wrdreg $0xC0  }
0x23: {  	_ =	task [dreg:s7], $0x5FFFF  }
0x24: {  	[dreg:$0x1] =	wrdreg $0xFFFFFFFF  }
0x25: {  	[dreg:$0x0] =	wrdreg $0x60  }
0x26: {  	[dreg:$0x2] =	wrdreg s25  }
0x27: {  	[dreg:$0x3] =	wrdreg s2  }
0x28: {  	[dreg:$0x4] =	wrdreg $0x9  }
0x29: {  	_ =	task.clear_ibuf [dreg:s7], $0x5FFFF;
	_ =	strace $0x90000049  }
0x2a: {  	s29 =	simm.s32 $0x9;
	_ =	strace $0x8000004B  }
0x2b: {  	_ =	swait.ge [sflag:s29], $0x1  }
0x2c: {  	[sflag:s29] =	ssyncadd.s32 $0xFFFFFFFF  }
0x2d: {  	_ =	strace $0x9000004B  }
0x2e: {  	_ =	sfence  }
0x2f: {  	s30 =	sld [smem:$0x0];
	_ =	sdelay $0x2  }
0x30: {  	s31 =	sshll.u32 s1, $0xD;
	s1 =	sshrl.u32 s1, $0x2  }
0x31: {  	s3 =	sand.u32 $0x4000, s31;
	s1 =	sadd.s32 s1, s30  }
0x32: {  	s0 =	sor.u32 s3, s0;
	s1 =	sshll.u32 s1, $0x11  }
0x33: {  	s0 =	sor.u32 s1, s0  }
0x34: {  	s0 =	sadd.s32 $0x8F2B, s0  }
0x35: {  	[sflag:s0] =	ssyncadd.remote.s32 $0x1  }
0x36: {  	_ =	sfence.sel $0xFFFF  }
0x37: {  	[dreg:$0x0] =	wrdreg $0xFFFFFFFF;
	(pc) =	sbr.abs _section_cstart, $3  }
0x38: {  	[dreg:$0x1] =	wrdreg $0xFFFFFFFF  }
0x39: {  	_ =	task.clear_ibuf [dreg:s7], $0x2FFFF;
	_ =	strace $0x9FFFFFFF  }
0x3a: {  	(tm) =	ssettm $0x7FFFFFFF  }
0x3b: {  	_ =	shalt  }
tec
execute0_lowered:
.L_overlay_start_1:
0x0: {  	(tag) =	ssettag $0x1  }
0x1: {  	s0 =	srdreg.scid  }
0x2: {  	s1 =	sshll.u32 s0, $0x4  }
0x3: {  	s4 =	rddreg [dreg:$0x0];
	s0 =	stileid.u32;
	s1 =	sand.u32 $0x10, s1  }
0x4: {  	s2 =	rddreg [dreg:$0x1];
	s7 =	simm.s32 $0x1;
	s1 =	sor.u32 s0, s1  }
0x5: {  	s8 =	simm.s32 $0x2;
	s11 =	simm.s32 $0x0;
	s3 =	sshll.u32 s1, $0x7  }
0x6: {  	s10 =	simm.s32 $0x0;
	s4 =	sadd.s32 $0x800, s4;
	s6 =	ssub.s32 $0xC8000, s3  }
.Ltmp0:
0x7: {  	s1 =	rddreg [dreg:$0x2];
	s5 =	sand.u32 $0xF80, s6;
	(pc) =	sbr.rel .LBB1_1-.Ltmp0, $4  }
0x8: {  	_ =	strace $0x8000004A;
	s9 =	smov.u32 s3;
	p0 =	sne.s32 s5, $0x0  }
0x9: {  	s6 =	sshrl.u32 s6, $0xC;
	s5 =	simm.s32 $0x1;
	s7 =	simm.s32 @!p0 $0x0  }
0xa: {  	[sflag:s5] =	ssyncpa.u1 $0x0;
	p0 =	por $0x0, $0x0;
	s6 =	sadd.s32 s7, s6  }
0xb: {  	[sflag:s8] =	ssyncpa.u1 $0x0;
	s8 =	simm.s32 $0x640000;
	s7 =	sadd.s32 $0x1, s6  }
.LBB1_4:
0xc: {  	s14 =	sshll.u32 s11, $0x3  }
0xd: {  	s30 =	sand.u32 $0x7F, s11;
	s15 =	sand.u32 $0xFFFFFC00, s14  }
0xe: {  	s11 =	sor.u32 s30, s15  }
0xf: {  	s15 =	smulhi.u32 $0x51EB851F, s11  }
0x10: {  	s14 =	smulhi.u32 $0x51EB851F, s14  }
0x11: {  	s15 =	sshrl.u32 s15, $0x12  }
0x12: {  	s14 =	sshrl.u32 s14, $0x12;
	s15 =	smul.u32 $0xC8000, s15  }
0x13: {  	s14 =	sand.u32 $0x1F, s14  }
0x14: {  	s14 =	smul.u32 $0x19000, s14;
	s11 =	ssub.s32 s11, s15  }
0x15: {  	s15 =	sand.u32 $0x7, s11  }
0x16: {  	s14 =	sadd.s32 s2, s14;
	s11 =	sshrl.u32 s11, $0x3;
	s15 =	sshll.u32 s15, $0x12  }
0x17: {  	[tilespmem:s13+$0x0 ss:$0x81] =	vst.msk $0xffff, v0;
	s11 =	sadd.s32 s11, s14;
	s31 =	sor.u32 $0x400, s15  }
0x18: {  	[hbm4b:s11+s31] =	stream.strided.scatter [tilespmem:s12], [sflag:$0x2], $0x1000, s8, s31, $0x20;
	[tilespmem:$0x4040] =	vst v63  }
.LBB1_5:
0x19: {  	s13 =	sadd.s32 $0x1000, s9  }
0x1a: {  	p2 =	sgt.s32 s13, $0xC7FFF  }
0x1b: {  	s13 =	smov.u32 @p2 s3;
	p2 =	sne.s32 s10, s7  }
.Ltmp1:
0x1c: {  	p1 =	slt.u32 s10, $0x2;
	(pc) =	sbr.rel @!p2 .LBB1_6-.Ltmp1, $4  }
0x1d: {  	s12 =	simm.s32 @!p1 $0x2  }
0x1e: {  	s14 =	sadd.s32 $0x1, s10;
	_ =	swait.ge @!p1 [sflag:s12], $0x1000  }
0x1f: {  	s11 =	smov.u32 s9;
	p0 =	por !p0, !p0;
	[sflag:s12] =	ssyncset.done @!p1 $0x0  }
0x20: {  	s10 =	smov.u32 s14;
	s9 =	smov.u32 s13;
	[sflag:s12] =	ssyncadd.s32 @!p1 $0xFFFFF000  }
.LBB1_1:
0x21: {  	p1 =	sge.u32 s10, s6  }
0x22: {  	s12 =	sand.u32 @!p1 $0x1FFFFFF, s9  }
0x23: {  	s13 =	smulhi.u32 @!p1 $0x147AE15, s12;
	_ =	sdelay $0x1  }
0x24: {  	s13 =	sshrl.u32 @!p1 s13, $0xC  }
0x25: {  	s13 =	smul.u32 @!p1 $0xC8000, s13;
	_ =	sdelay $0x1  }
0x26: {  	s31 =	sadd.s32 $0xFFFFFFFF, s10;
	s14 =	sxor.u32 @!p1 $0xFFFFFFFF, s10;
	s12 =	ssub.s32 @!p1 s12, s13  }
0x27: {  	s15 =	simm.s32 @!p1 $0x80;
	s14 =	sshll.u32 @!p1 s14, $0xC;
	s12 =	sshll.u32 @!p1 s12, $0x4  }
0x28: {  	s13 =	sand.u32 @!p1 $0x1000, s14;
	s14 =	simm.s32 @!p1 $0x20;
	s12 =	sadd.s32 @!p1 s4, s12  }
0x29: {  	[tilespmem:s13], [sflag:$0x1] =	stream.strided.gather @!p1 [hbm4b:s12+s14], $0x1000, s15, s14, $0x38;
	[tilespmem:$0x4040] =	vst v63  }
0x2a: {  	p1 =	sge.u32 s31, s6  }
.Ltmp2:
0x2b: {  	_ = 	snop;
	(pc) =	sbr.rel @p1 .LBB1_5-.Ltmp2, $1  }
0x2c: {  	_ =	sdelay $0x3  }
0x2d: {  	s12 =	simm.s32 $0x1  }
0x2e: {  	_ =	swait.ge [sflag:s5], $0x1000;
	s12 =	simm.s32 @!p0 $0x0  }
0x2f: {  	[sflag:s5] =	ssyncset.done $0x0;
	s13 =	sshll.u32 s12, $0xC  }
0x30: {  	[sflag:s5] =	ssyncadd.s32 $0xFFFFF000;
	s16 =	sor.u32 $0x10, s13  }
0x31: {  	s12 =	smul.u32 $0x4080, s12;
	v1 =	vld [tilespmem:s16+$0x0]  }
0x32: {  	s30 =	sand.u32 $0x1, s10;
	v0 =	vld [tilespmem:s16+$0xFFFFFFF0]  }
0x33: {  	s13 =	smul.u32 $0x4080, s30;
	s12 =	sshrl.u32 s12, $0x2  }
0x34: {  	s14 =	sor.u32 $0x2000, s12  }
0x35: {  	s31 =	sshrl.u32 s13, $0x2;
	s13 =	sadd.s32 $0x0, s14  }
0x36: {  	s15 =	simm.s32 $0x4;
	s16 =	sadd.s32 $0x20, s16;
	s12 =	sor.u32 $0x2000, s31;
	[tilespmem:s13+$0x810 ss:$0x81] =	vst.msk $0xffff, v1  }
.LBB1_3:
0x37: {  	v1 =	vld [tilespmem:s16+$0x0];
	p1 =	sne.s32 s15, $0x1FC;
	[tilespmem:s13+$0x0 ss:$0x81] =	vst.msk $0xffff, v0;
	s13 =	smov.u32 s15;
	s15 =	sadd.s32 $0x4, s15  }
.Ltmp3:
0x38: {  	v0 =	vld [tilespmem:s16+$0xFFFFFFF0];
	(pc) =	sbr.rel @p1 .LBB1_3-.Ltmp3, $4  }
0x39: {  	_ = 	snop  }
0x3a: {  	s13 =	sshra.s32 s13, $0x2  }
0x3b: {  	s13 =	sadd.s32 s13, s14  }
0x3c: {  	s16 =	sadd.s32 $0x20, s16;
	[tilespmem:s13+$0x810 ss:$0x81] =	vst.msk $0xffff, v1  }
.Ltmp4:
0x3d: {  	_ = 	snop;
	(pc) =	sbr.rel .LBB1_4-.Ltmp4, $1  }
0x3e: {  	_ =	sdelay $0x3  }
.LBB1_6:
0x3f: {  	_ =	sfence.sel $0x180000  }
0x40: {  	s2 =	simm.s32 $0x1;
	[bflag:$0x0] =	sbarrier.arrive $0xFFFF  }
0x41: {  	s31 =	simm.s32 $0x2;
	[sflag:s2] =	ssyncpa.u1 $0x1  }
0x42: {  	[sflag:s31] =	ssyncpa.u1 $0x1  }
0x43: {  	p0 =	sne.s32 s0, $0x0;
	_ =	strace $0x9000004A  }
0x44: {  	s0 =	sadd.s32 @!p0 $0x100000, s1;
	[bflag:$0x2] =	sbarrier.arrive $0xFFFF  }
0x45: {  	[sflag:s0] =	ssyncadd.tile.s32 @!p0 $0x1;
	_ =	shalt  }
.Lfunc_end1:
_tile_overlayer_lowered:
.L_overlay_start_2:
0x46: {  	(tag) =	ssettag $0x2  }
0x47: {  	s0 =	rddreg [dreg:$0x0];
	s2 =	stileid.u32  }
0x48: {  	s1 =	rddreg [dreg:$0x1];
	p0 =	sne.s32 s2, $0x0  }
0x49: {  	s3 =	rddreg [dreg:$0x2];
	[bflag:$0x3] =	sbarrier.arrive $0xFFFF;
	s2 =	simm.s32 @!p0 $0x1C01  }
0x4a: {  	[timem:s3], [sflag:s2] =	dma.local @!p0 [hbm:s0], s1  }
0x4b: {  	s0 =	simm.s32 @!p0 $0x1  }
0x4c: {  	_ =	swait.ge @!p0 [sflag:s0], s1  }
0x4d: {  	s1 =	ssub.s32 @!p0 $0x0, s1;
	[sflag:s0] =	ssyncset.done @!p0 $0x0  }
0x4e: {  	[sflag:s0] =	ssyncadd.s32 @!p0 s1  }
0x4f: {  	[bflag:$0x3] =	sbarrier.arrive $0xFFFF  }
0x50: {  	_ =	shalt  }

</sc_bundles>
